<compile_context>
chip_gen: v7x
topology: tpu7x:2x2x1
jax: 0.10.2.dev20260603
libtpu: 0.0.44.dev20260713+nightly
codegen_flags: <defaults>
</compile_context>

<pallas_src>
import functools
import jax
import jax.numpy as jnp
from jax import lax
from jax.experimental import pallas as pl
from jax.experimental.pallas import tpu as pltpu
from jax.experimental.pallas import tpu_sc as plsc

_N = 20000
_MAX_DET = 200
_SCORE_THRESH = 0.5
_NMS_THRESH = 0.2
_NT = 16
_NPAD = 20480
_PT = _NPAD // _NT
_NC = _PT // 16
_NEG = -1e9
_IMAX = 2**31 - 1
_FINF = 3.0e38

_mesh = plsc.VectorSubcoreMesh(
    core_axis_name="c", subcore_axis_name="s", num_cores=1)


@functools.partial(
    pl.kernel,
    out_type=jax.ShapeDtypeStruct((_MAX_DET, 16), jnp.float32),
    mesh=_mesh,
    scratch_types=[
        pltpu.VMEM((_PT,), jnp.float32),
        pltpu.VMEM((_PT,), jnp.float32),
        pltpu.VMEM((_PT,), jnp.float32),
        pltpu.VMEM((_PT,), jnp.float32),
        pltpu.VMEM((_PT,), jnp.float32),
        pltpu.VMEM((_PT,), jnp.float32),
        pltpu.VMEM((96,), jnp.float32),
        pltpu.VMEM((_NT * 96,), jnp.float32),
        pltpu.VMEM((16,), jnp.float32),
        pltpu.VMEM_SHARED((_NT * 96,), jnp.float32),
    ],
)
def _sc_nms(x1_hbm, y1_hbm, x2_hbm, y2_hbm, s_hbm, out_hbm,
            xl, yl, x2l, y2l, al, swl, rec, allrec, rowb, shared):
    wid = lax.axis_index("s")
    base = wid * _PT
    pltpu.sync_copy(x1_hbm.at[pl.ds(base, _PT)], xl)
    pltpu.sync_copy(y1_hbm.at[pl.ds(base, _PT)], yl)
    pltpu.sync_copy(x2_hbm.at[pl.ds(base, _PT)], x2l)
    pltpu.sync_copy(y2_hbm.at[pl.ds(base, _PT)], y2l)
    pltpu.sync_copy(s_hbm.at[pl.ds(base, _PT)], swl)

    lanes = lax.iota(jnp.int32, 16)

    def shuf(x, k):
        return x.at[lanes ^ k].get(mode="promise_in_bounds")

    def bfly_max(x):
        for k in (8, 4, 2, 1):
            x = jnp.maximum(x, shuf(x, k))
        return x

    def bfly_min(x):
        for k in (8, 4, 2, 1):
            x = jnp.minimum(x, shuf(x, k))
        return x

    def init_chunk(j, _):
        sl = pl.ds(j * 16, 16)
        a = (x2l[sl] - xl[sl]) * (y2l[sl] - yl[sl])
        al[sl] = a
        sv = swl[sl]
        swl[sl] = jnp.where(sv > _SCORE_THRESH, sv, _NEG)
        return 0

    lax.fori_loop(0, _NC, init_chunk, 0)

    def round_body(i, _):
        def amax_chunk(j, carry):
            rmax, ridx, r1, r2, r3, r4 = carry
            sl = pl.ds(j * 16, 16)
            v = swl[sl]
            gt = v > rmax
            sel = lambda a, b: jnp.where(gt, a, b)
            return (sel(v, rmax), sel(j * 16 + lanes, ridx),
                    sel(xl[sl], r1), sel(yl[sl], r2),
                    sel(x2l[sl], r3), sel(y2l[sl], r4))

        z = lanes * 0.0
        carry0 = (jnp.full((16,), _NEG, jnp.float32), lanes, z, z, z, z)
        rmax, ridx, r1, r2, r3, r4 = lax.fori_loop(
            0, _NC, amax_chunk, carry0)

        for k in (8, 4, 2, 1):
            ov, oi = shuf(rmax, k), shuf(ridx, k)
            o1, o2, o3, o4 = shuf(r1, k), shuf(r2, k), shuf(r3, k), shuf(r4, k)
            idxle = jnp.where(ridx <= oi, 1.0, 0.0)
            takef = jnp.where(rmax > ov, 1.0,
                              jnp.where(ov > rmax, 0.0, idxle))
            take = takef > 0.5
            sel = lambda a, b: jnp.where(take, a, b)
            rmax, ridx = sel(rmax, ov), sel(ridx, oi)
            r1, r2, r3, r4 = sel(r1, o1), sel(r2, o2), sel(r3, o3), sel(r4, o4)

        onehot = lanes == wid
        gib = (ridx + base).astype(jnp.float32)
        rec[pl.ds(0, 16)] = jnp.where(onehot, rmax, _NEG)
        rec[pl.ds(16, 16)] = jnp.where(onehot, gib, jnp.float32(1e9))
        rec[pl.ds(32, 16)] = jnp.where(onehot, r1, _FINF)
        rec[pl.ds(48, 16)] = jnp.where(onehot, r2, _FINF)
        rec[pl.ds(64, 16)] = jnp.where(onehot, r3, _FINF)
        rec[pl.ds(80, 16)] = jnp.where(onehot, r4, _FINF)
        pltpu.sync_copy(rec, shared.at[pl.ds(wid * 96, 96)])
        plsc.subcore_barrier()
        pltpu.sync_copy(shared, allrec)
        plsc.subcore_barrier()

        vals = jnp.full((16,), _NEG, jnp.float32)
        gis = jnp.full((16,), 1e9, jnp.float32)
        c1 = jnp.full((16,), _FINF, jnp.float32)
        c2 = c1
        c3 = c1
        c4 = c1
        for w in range(_NT):
            o = w * 96
            vals = jnp.maximum(vals, allrec[pl.ds(o, 16)])
            gis = jnp.minimum(gis, allrec[pl.ds(o + 16, 16)])
            c1 = jnp.minimum(c1, allrec[pl.ds(o + 32, 16)])
            c2 = jnp.minimum(c2, allrec[pl.ds(o + 48, 16)])
            c3 = jnp.minimum(c3, allrec[pl.ds(o + 64, 16)])
            c4 = jnp.minimum(c4, allrec[pl.ds(o + 80, 16)])

        bm = bfly_max(vals)
        bgi = bfly_min(jnp.where(vals == bm, gis, jnp.float32(1e9)))
        wsel = gis == bgi
        b1 = bfly_min(jnp.where(wsel, c1, _FINF))
        b2 = bfly_min(jnp.where(wsel, c2, _FINF))
        b3 = bfly_min(jnp.where(wsel, c3, _FINF))
        b4 = bfly_min(jnp.where(wsel, c4, _FINF))
        validf = jnp.where(bm > 0.0, 1.0, 0.0)
        barea = (b3 - b1) * (b4 - b2)

        def sup_chunk(j, _):
            sl = pl.ds(j * 16, 16)
            xx1 = jnp.maximum(b1, xl[sl])
            yy1 = jnp.maximum(b2, yl[sl])
            xx2 = jnp.minimum(b3, x2l[sl])
            yy2 = jnp.minimum(b4, y2l[sl])
            inter = (jnp.maximum(xx2 - xx1, 0.0)
                     * jnp.maximum(yy2 - yy1, 0.0))
            iou = inter / (barea + al[sl] - inter + 1e-9)
            supp = jnp.logical_and(validf > 0.5, iou > _NMS_THRESH)
            swl[sl] = jnp.where(supp, _NEG, swl[sl])
            return 0

        lax.fori_loop(0, _NC, sup_chunk, 0)

        row = jnp.where(lanes == 0, b1,
              jnp.where(lanes == 1, b2,
              jnp.where(lanes == 2, b3,
              jnp.where(lanes == 3, b4,
              jnp.where(lanes == 4, bm, 0.0))))) * validf

        @pl.when(wid == 0)
        def _():
            rowb[...] = row
            pltpu.sync_copy(rowb, out_hbm.at[i])

        return 0

    lax.fori_loop(0, _MAX_DET, round_body, 0)


def kernel(boxes, scores):
    pad = _NPAD - _N
    x1 = jnp.pad(boxes[:, 0], (0, pad))
    y1 = jnp.pad(boxes[:, 1], (0, pad))
    x2 = jnp.pad(boxes[:, 2], (0, pad))
    y2 = jnp.pad(boxes[:, 3], (0, pad))
    s = jnp.pad(scores, (0, pad))
    out = _sc_nms(x1, y1, x2, y2, s)
    return out[:, :5]

# --- scband reference (transcript-rebuilt; emitter-appended) ---
"""Pipeline reference for scband-detector-37735582663083 (READ-ONLY COPY).

The authoritative reference and input builder live on the scoring server;
editing this copy changes nothing except your own understanding.
"""

import jax, jax.numpy as jnp
import numpy as np

N = 20000
MAX_DET = 200
SCORE_THRESH = 0.5
NMS_THRESH = 0.2


def setup_inputs(seed: int = 0) -> dict:
    key = jax.random.key(seed)
    k1, k2, k3 = jax.random.split(key, 3)
    centers = jax.random.uniform(k1, (N, 2), dtype=jnp.float32) * 2048.0
    sizes = jax.random.uniform(k2, (N, 2), dtype=jnp.float32) * 96.0 + 8.0
    boxes = jnp.concatenate([centers - sizes / 2.0, centers + sizes / 2.0], axis=1)
    scores = jax.random.uniform(k3, (N,), dtype=jnp.float32)
    return {"boxes": boxes, "scores": scores}


def reference(boxes, scores):
    # Greedy NMS over box proposals (jittable analogue of the Detector.detect
    # pipeline: score thresholding followed by lanms-style NMS, returning
    # up to MAX_DET boxes in n5 = [x1, y1, x2, y2, score] format).
    n = boxes.shape[0]
    areas = (boxes[:, 2] - boxes[:, 0]) * (boxes[:, 3] - boxes[:, 1])
    scores_w = jnp.where(scores > SCORE_THRESH, scores, -1e9)
    out0 = jnp.zeros((MAX_DET, 5), dtype=jnp.float32)
    idx_range = jnp.arange(n)

    def body(i, carry):
        sw, out = carry
        idx = jnp.argmax(sw)
        best = sw[idx]
        box = boxes[idx]
        xx1 = jnp.maximum(box[0], boxes[:, 0])
        yy1 = jnp.maximum(box[1], boxes[:, 1])
        xx2 = jnp.minimum(box[2], boxes[:, 2])
        yy2 = jnp.minimum(box[3], boxes[:, 3])
        inter = jnp.clip(xx2 - xx1, 0.0, None) * jnp.clip(yy2 - yy1, 0.0, None)
        iou = inter / (areas[idx] + areas - inter + 1e-9)
        valid = best > 0.0
        suppress = jnp.logical_or(iou > NMS_THRESH, idx_range == idx)
        sw = jnp.where(jnp.logical_and(valid, suppress), -1e9, sw)
        row = jnp.concatenate([box, best[None]]) * valid.astype(jnp.float32)
        out = out.at[i].set(row)
        return (sw, out)

    _, out = jax.lax.fori_loop(0, MAX_DET, body, (scores_w, out0))
    return out

if __name__ == "__main__":
    import jax
    _d = setup_inputs()
    print(jax.jit(kernel)(*tuple(_d.values())))

</pallas_src>

<mosaic_0001>
#map = affine_map<(d0, d1) -> (0)>
#map1 = affine_map<(d0, d1) -> (0, 0)>
module attributes {stable_mosaic.version = 14 : i64} {
  func.func @_sc_nms(%arg0: i32, %arg1: i32, %arg2: memref<20480xf32, #tpu.memory_space<hbm>>, %arg3: memref<20480xf32, #tpu.memory_space<hbm>>, %arg4: memref<20480xf32, #tpu.memory_space<hbm>>, %arg5: memref<20480xf32, #tpu.memory_space<hbm>>, %arg6: memref<20480xf32, #tpu.memory_space<hbm>>, %arg7: memref<200x16xf32, #tpu.memory_space<hbm>>, %arg8: memref<1280xf32, #tpu.memory_space<vmem>>, %arg9: memref<1280xf32, #tpu.memory_space<vmem>>, %arg10: memref<1280xf32, #tpu.memory_space<vmem>>, %arg11: memref<1280xf32, #tpu.memory_space<vmem>>, %arg12: memref<1280xf32, #tpu.memory_space<vmem>>, %arg13: memref<1280xf32, #tpu.memory_space<vmem>>, %arg14: memref<96xf32, #tpu.memory_space<vmem>>, %arg15: memref<1536xf32, #tpu.memory_space<vmem>>, %arg16: memref<16xf32, #tpu.memory_space<vmem>>, %arg17: memref<1536xf32, #tpu.memory_space<vmem_shared>>) attributes {dimension_semantics = [#tpu.dimension_semantics<core_parallel>, #tpu.dimension_semantics<subcore_parallel>], iteration_bounds = array<i64: 1, 16>, scalar_prefetch = 0 : i64, scratch_operands = 10 : i64, tpu.core_type = #tpu.core_type<sc_vector_subcore>, window_params = [{transform_indices = #map}, {transform_indices = #map}, {transform_indices = #map}, {transform_indices = #map}, {transform_indices = #map}, {transform_indices = #map1}]} {
    %mul3A = arith.constant 1280 : i32
    %mul3A_0 = arith.muli %arg1, %mul3A : i32
    "tpu.region"() ({
      %run_scoped3A = tpu.sem_alloc : memref<!tpu.dma_semaphore, #tpu.memory_space<semaphore_mem>>
      %dma_start3A = tpu.memref_slice %arg2[%mul3A_0] : memref<20480xf32, #tpu.memory_space<hbm>> -> memref<1280xf32, #tpu.memory_space<hbm>>
      %dma_start3A_14 = tpu.memref_slice %arg2[%mul3A_0] : memref<20480xf32, #tpu.memory_space<hbm>> -> memref<1280xf32, #tpu.memory_space<hbm>>
      tpu.enqueue_dma source(%dma_start3A_14 : memref<1280xf32, #tpu.memory_space<hbm>>) target(%arg8 : memref<1280xf32, #tpu.memory_space<vmem>>) target_semaphore(%run_scoped3A : memref<!tpu.dma_semaphore, #tpu.memory_space<semaphore_mem>>)
      %dma_wait3A = tpu.memref_slice %arg2[%mul3A_0] : memref<20480xf32, #tpu.memory_space<hbm>> -> memref<1280xf32, #tpu.memory_space<hbm>>
      %dma_wait3A_15 = tpu.memref_slice %arg2[%mul3A_0] : memref<20480xf32, #tpu.memory_space<hbm>> -> memref<1280xf32, #tpu.memory_space<hbm>>
      tpu.wait_dma2 semaphore(%run_scoped3A : memref<!tpu.dma_semaphore, #tpu.memory_space<semaphore_mem>>) src(%dma_wait3A_15 : memref<1280xf32, #tpu.memory_space<hbm>>) dst(%arg8 : memref<1280xf32, #tpu.memory_space<vmem>>)
      tpu.yield
    }) : () -> ()
    "tpu.region"() ({
      %run_scoped3A = tpu.sem_alloc : memref<!tpu.dma_semaphore, #tpu.memory_space<semaphore_mem>>
      %dma_start3A = tpu.memref_slice %arg3[%mul3A_0] : memref<20480xf32, #tpu.memory_space<hbm>> -> memref<1280xf32, #tpu.memory_space<hbm>>
      %dma_start3A_14 = tpu.memref_slice %arg3[%mul3A_0] : memref<20480xf32, #tpu.memory_space<hbm>> -> memref<1280xf32, #tpu.memory_space<hbm>>
      tpu.enqueue_dma source(%dma_start3A_14 : memref<1280xf32, #tpu.memory_space<hbm>>) target(%arg9 : memref<1280xf32, #tpu.memory_space<vmem>>) target_semaphore(%run_scoped3A : memref<!tpu.dma_semaphore, #tpu.memory_space<semaphore_mem>>)
      %dma_wait3A = tpu.memref_slice %arg3[%mul3A_0] : memref<20480xf32, #tpu.memory_space<hbm>> -> memref<1280xf32, #tpu.memory_space<hbm>>
      %dma_wait3A_15 = tpu.memref_slice %arg3[%mul3A_0] : memref<20480xf32, #tpu.memory_space<hbm>> -> memref<1280xf32, #tpu.memory_space<hbm>>
      tpu.wait_dma2 semaphore(%run_scoped3A : memref<!tpu.dma_semaphore, #tpu.memory_space<semaphore_mem>>) src(%dma_wait3A_15 : memref<1280xf32, #tpu.memory_space<hbm>>) dst(%arg9 : memref<1280xf32, #tpu.memory_space<vmem>>)
      tpu.yield
    }) : () -> ()
    "tpu.region"() ({
      %run_scoped3A = tpu.sem_alloc : memref<!tpu.dma_semaphore, #tpu.memory_space<semaphore_mem>>
      %dma_start3A = tpu.memref_slice %arg4[%mul3A_0] : memref<20480xf32, #tpu.memory_space<hbm>> -> memref<1280xf32, #tpu.memory_space<hbm>>
      %dma_start3A_14 = tpu.memref_slice %arg4[%mul3A_0] : memref<20480xf32, #tpu.memory_space<hbm>> -> memref<1280xf32, #tpu.memory_space<hbm>>
      tpu.enqueue_dma source(%dma_start3A_14 : memref<1280xf32, #tpu.memory_space<hbm>>) target(%arg10 : memref<1280xf32, #tpu.memory_space<vmem>>) target_semaphore(%run_scoped3A : memref<!tpu.dma_semaphore, #tpu.memory_space<semaphore_mem>>)
      %dma_wait3A = tpu.memref_slice %arg4[%mul3A_0] : memref<20480xf32, #tpu.memory_space<hbm>> -> memref<1280xf32, #tpu.memory_space<hbm>>
      %dma_wait3A_15 = tpu.memref_slice %arg4[%mul3A_0] : memref<20480xf32, #tpu.memory_space<hbm>> -> memref<1280xf32, #tpu.memory_space<hbm>>
      tpu.wait_dma2 semaphore(%run_scoped3A : memref<!tpu.dma_semaphore, #tpu.memory_space<semaphore_mem>>) src(%dma_wait3A_15 : memref<1280xf32, #tpu.memory_space<hbm>>) dst(%arg10 : memref<1280xf32, #tpu.memory_space<vmem>>)
      tpu.yield
    }) : () -> ()
    "tpu.region"() ({
      %run_scoped3A = tpu.sem_alloc : memref<!tpu.dma_semaphore, #tpu.memory_space<semaphore_mem>>
      %dma_start3A = tpu.memref_slice %arg5[%mul3A_0] : memref<20480xf32, #tpu.memory_space<hbm>> -> memref<1280xf32, #tpu.memory_space<hbm>>
      %dma_start3A_14 = tpu.memref_slice %arg5[%mul3A_0] : memref<20480xf32, #tpu.memory_space<hbm>> -> memref<1280xf32, #tpu.memory_space<hbm>>
      tpu.enqueue_dma source(%dma_start3A_14 : memref<1280xf32, #tpu.memory_space<hbm>>) target(%arg11 : memref<1280xf32, #tpu.memory_space<vmem>>) target_semaphore(%run_scoped3A : memref<!tpu.dma_semaphore, #tpu.memory_space<semaphore_mem>>)
      %dma_wait3A = tpu.memref_slice %arg5[%mul3A_0] : memref<20480xf32, #tpu.memory_space<hbm>> -> memref<1280xf32, #tpu.memory_space<hbm>>
      %dma_wait3A_15 = tpu.memref_slice %arg5[%mul3A_0] : memref<20480xf32, #tpu.memory_space<hbm>> -> memref<1280xf32, #tpu.memory_space<hbm>>
      tpu.wait_dma2 semaphore(%run_scoped3A : memref<!tpu.dma_semaphore, #tpu.memory_space<semaphore_mem>>) src(%dma_wait3A_15 : memref<1280xf32, #tpu.memory_space<hbm>>) dst(%arg11 : memref<1280xf32, #tpu.memory_space<vmem>>)
      tpu.yield
    }) : () -> ()
    "tpu.region"() ({
      %run_scoped3A = tpu.sem_alloc : memref<!tpu.dma_semaphore, #tpu.memory_space<semaphore_mem>>
      %dma_start3A = tpu.memref_slice %arg6[%mul3A_0] : memref<20480xf32, #tpu.memory_space<hbm>> -> memref<1280xf32, #tpu.memory_space<hbm>>
      %dma_start3A_14 = tpu.memref_slice %arg6[%mul3A_0] : memref<20480xf32, #tpu.memory_space<hbm>> -> memref<1280xf32, #tpu.memory_space<hbm>>
      tpu.enqueue_dma source(%dma_start3A_14 : memref<1280xf32, #tpu.memory_space<hbm>>) target(%arg13 : memref<1280xf32, #tpu.memory_space<vmem>>) target_semaphore(%run_scoped3A : memref<!tpu.dma_semaphore, #tpu.memory_space<semaphore_mem>>)
      %dma_wait3A = tpu.memref_slice %arg6[%mul3A_0] : memref<20480xf32, #tpu.memory_space<hbm>> -> memref<1280xf32, #tpu.memory_space<hbm>>
      %dma_wait3A_15 = tpu.memref_slice %arg6[%mul3A_0] : memref<20480xf32, #tpu.memory_space<hbm>> -> memref<1280xf32, #tpu.memory_space<hbm>>
      tpu.wait_dma2 semaphore(%run_scoped3A : memref<!tpu.dma_semaphore, #tpu.memory_space<semaphore_mem>>) src(%dma_wait3A_15 : memref<1280xf32, #tpu.memory_space<hbm>>) dst(%arg13 : memref<1280xf32, #tpu.memory_space<vmem>>)
      tpu.yield
    }) : () -> ()
    %iota3A = tpu.iota {dimensions = array<i32: 0>} : vector<16xi32>
    %scan3A = arith.constant 0 : i32
    %scan3A_1 = arith.constant 0 : i32
    %scan3A_2 = arith.constant 80 : i32
    %scan3A_3 = arith.addi %scan3A_1, %scan3A_2 : i32
    %scan3A_4 = arith.constant 1 : i32
    %scan3A_5 = scf.for %scan3A_14 = %scan3A_1 to %scan3A_3 step %scan3A_4 iter_args(%scan3A_15 = %scan3A) -> (i32)  : i32 {
      %mul3A_16 = arith.constant 16 : i32
      %mul3A_17 = arith.muli %scan3A_14, %mul3A_16 : i32
      %get3A = arith.index_cast %mul3A_17 : i32 to index
      %get3A_18 = tpu.vector_load %arg10[%get3A] {strides = array<i32>} : memref<1280xf32, #tpu.memory_space<vmem>>, vector<16xf32>,
      %get3A_19 = vector.shape_cast %get3A_18 : vector<16xf32> to vector<16xf32>
      %get3A_20 = arith.index_cast %mul3A_17 : i32 to index
      %get3A_21 = tpu.vector_load %arg8[%get3A_20] {strides = array<i32>} : memref<1280xf32, #tpu.memory_space<vmem>>, vector<16xf32>,
      %get3A_22 = vector.shape_cast %get3A_21 : vector<16xf32> to vector<16xf32>
      %sub3A = arith.subf %get3A_19, %get3A_22 : vector<16xf32>
      %get3A_23 = arith.index_cast %mul3A_17 : i32 to index
      %get3A_24 = tpu.vector_load %arg11[%get3A_23] {strides = array<i32>} : memref<1280xf32, #tpu.memory_space<vmem>>, vector<16xf32>,
      %get3A_25 = vector.shape_cast %get3A_24 : vector<16xf32> to vector<16xf32>
      %get3A_26 = arith.index_cast %mul3A_17 : i32 to index
      %get3A_27 = tpu.vector_load %arg9[%get3A_26] {strides = array<i32>} : memref<1280xf32, #tpu.memory_space<vmem>>, vector<16xf32>,
      %get3A_28 = vector.shape_cast %get3A_27 : vector<16xf32> to vector<16xf32>
      %sub3A_29 = arith.subf %get3A_25, %get3A_28 : vector<16xf32>
      %mul3A_30 = arith.mulf %sub3A, %sub3A_29 : vector<16xf32>
      %swap3A = arith.index_cast %mul3A_17 : i32 to index
      %swap3A_31 = tpu.vector_load %arg12[%swap3A] {strides = array<i32>} : memref<1280xf32, #tpu.memory_space<vmem>>, vector<16xf32>,
      %swap3A_32 = vector.shape_cast %swap3A_31 : vector<16xf32> to vector<16xf32>
      %swap3A_33 = vector.shape_cast %mul3A_30 : vector<16xf32> to vector<16xf32>
      tpu.vector_store %arg12[%swap3A], %swap3A_33 {strides = array<i32>} : memref<1280xf32, #tpu.memory_space<vmem>>, vector<16xf32>,
      %get3A_34 = arith.index_cast %mul3A_17 : i32 to index
      %get3A_35 = tpu.vector_load %arg13[%get3A_34] {strides = array<i32>} : memref<1280xf32, #tpu.memory_space<vmem>>, vector<16xf32>,
      %get3A_36 = vector.shape_cast %get3A_35 : vector<16xf32> to vector<16xf32>
      %gt3A = arith.constant 5.000000e-01 : f32
      %gt3A_37 = vector.broadcast %gt3A : f32 to vector<16xf32>
      %gt3A_38 = arith.cmpf ogt, %get3A_36, %gt3A_37 : vector<16xf32>
      %jit3A = arith.constant -1.000000e+09 : f32
      %broadcast_in_dim3A = vector.broadcast %jit3A : f32 to vector<16xf32>
      %select_n3A = arith.select %gt3A_38, %get3A_36, %broadcast_in_dim3A : vector<16xi1>, vector<16xf32>
      %swap3A_39 = arith.index_cast %mul3A_17 : i32 to index
      %swap3A_40 = tpu.vector_load %arg13[%swap3A_39] {strides = array<i32>} : memref<1280xf32, #tpu.memory_space<vmem>>, vector<16xf32>,
      %swap3A_41 = vector.shape_cast %swap3A_40 : vector<16xf32> to vector<16xf32>
      %swap3A_42 = vector.shape_cast %select_n3A : vector<16xf32> to vector<16xf32>
      tpu.vector_store %arg13[%swap3A_39], %swap3A_42 {strides = array<i32>} : memref<1280xf32, #tpu.memory_space<vmem>>, vector<16xf32>,
      %scan3A_43 = arith.constant 0 : i32
      scf.yield %scan3A_43 : i32
    }
    %scan3A_6 = arith.constant 80 : i32
    %scan3A_7 = arith.constant 0 : i32
    %scan3A_8 = arith.constant 0 : i32
    %scan3A_9 = arith.constant 200 : i32
    %scan3A_10 = arith.addi %scan3A_8, %scan3A_9 : i32
    %scan3A_11 = arith.constant 1 : i32
    %scan3A_12 = scf.for %scan3A_14 = %scan3A_8 to %scan3A_10 step %scan3A_11 iter_args(%scan3A_15 = %scan3A_7) -> (i32)  : i32 {
      %convert_element_type3A = arith.sitofp %iota3A : vector<16xi32> to vector<16xf32>
      %mul3A_16 = arith.constant 0.000000e+00 : f32
      %mul3A_17 = vector.broadcast %mul3A_16 : f32 to vector<16xf32>
      %mul3A_18 = arith.mulf %convert_element_type3A, %mul3A_17 : vector<16xf32>
      %broadcast_in_dim3A = arith.constant -1.000000e+09 : f32
      %broadcast_in_dim3A_19 = vector.broadcast %broadcast_in_dim3A : f32 to vector<16xf32>
      %scan3A_20 = arith.constant 0 : i32
      %scan3A_21 = arith.constant 80 : i32
      %scan3A_22 = arith.addi %scan3A_20, %scan3A_21 : i32
      %scan3A_23 = arith.constant 1 : i32
      %scan3A_24:6 = scf.for %scan3A_1255 = %scan3A_20 to %scan3A_22 step %scan3A_23 iter_args(%scan3A_1256 = %broadcast_in_dim3A_19, %scan3A_1257 = %iota3A, %scan3A_1258 = %mul3A_18, %scan3A_1259 = %mul3A_18, %scan3A_1260 = %mul3A_18, %scan3A_1261 = %mul3A_18) -> (vector<16xf32>, vector<16xi32>, vector<16xf32>, vector<16xf32>, vector<16xf32>, vector<16xf32>)  : i32 {
        %mul3A_1262 = arith.constant 16 : i32
        %mul3A_1263 = arith.muli %scan3A_1255, %mul3A_1262 : i32
        %get3A_1264 = arith.index_cast %mul3A_1263 : i32 to index
        %get3A_1265 = tpu.vector_load %arg13[%get3A_1264] {strides = array<i32>} : memref<1280xf32, #tpu.memory_space<vmem>>, vector<16xf32>,
        %get3A_1266 = vector.shape_cast %get3A_1265 : vector<16xf32> to vector<16xf32>
        %gt3A_1267 = arith.cmpf ogt, %get3A_1266, %scan3A_1256 : vector<16xf32>
        %select_n3A_1268 = arith.select %gt3A_1267, %get3A_1266, %scan3A_1256 : vector<16xi1>, vector<16xf32>
        %mul3A_1269 = arith.constant 16 : i32
        %mul3A_1270 = arith.muli %scan3A_1255, %mul3A_1269 : i32
        %add3A_1271 = vector.broadcast %mul3A_1270 : i32 to vector<16xi32>
        %add3A_1272 = arith.addi %add3A_1271, %iota3A : vector<16xi32>
        %select_n3A_1273 = arith.select %gt3A_1267, %add3A_1272, %scan3A_1257 : vector<16xi1>, vector<16xi32>
        %get3A_1274 = arith.index_cast %mul3A_1263 : i32 to index
        %get3A_1275 = tpu.vector_load %arg8[%get3A_1274] {strides = array<i32>} : memref<1280xf32, #tpu.memory_space<vmem>>, vector<16xf32>,
        %get3A_1276 = vector.shape_cast %get3A_1275 : vector<16xf32> to vector<16xf32>
        %select_n3A_1277 = arith.select %gt3A_1267, %get3A_1276, %scan3A_1258 : vector<16xi1>, vector<16xf32>
        %get3A_1278 = arith.index_cast %mul3A_1263 : i32 to index
        %get3A_1279 = tpu.vector_load %arg9[%get3A_1278] {strides = array<i32>} : memref<1280xf32, #tpu.memory_space<vmem>>, vector<16xf32>,
        %get3A_1280 = vector.shape_cast %get3A_1279 : vector<16xf32> to vector<16xf32>
        %select_n3A_1281 = arith.select %gt3A_1267, %get3A_1280, %scan3A_1259 : vector<16xi1>, vector<16xf32>
        %get3A_1282 = arith.index_cast %mul3A_1263 : i32 to index
        %get3A_1283 = tpu.vector_load %arg10[%get3A_1282] {strides = array<i32>} : memref<1280xf32, #tpu.memory_space<vmem>>, vector<16xf32>,
        %get3A_1284 = vector.shape_cast %get3A_1283 : vector<16xf32> to vector<16xf32>
        %select_n3A_1285 = arith.select %gt3A_1267, %get3A_1284, %scan3A_1260 : vector<16xi1>, vector<16xf32>
        %get3A_1286 = arith.index_cast %mul3A_1263 : i32 to index
        %get3A_1287 = tpu.vector_load %arg11[%get3A_1286] {strides = array<i32>} : memref<1280xf32, #tpu.memory_space<vmem>>, vector<16xf32>,
        %get3A_1288 = vector.shape_cast %get3A_1287 : vector<16xf32> to vector<16xf32>
        %select_n3A_1289 = arith.select %gt3A_1267, %get3A_1288, %scan3A_1261 : vector<16xi1>, vector<16xf32>
        scf.yield %select_n3A_1268, %select_n3A_1273, %select_n3A_1277, %select_n3A_1281, %select_n3A_1285, %select_n3A_1289 : vector<16xf32>, vector<16xi32>, vector<16xf32>, vector<16xf32>, vector<16xf32>, vector<16xf32>
      }
      %scan3A_25 = arith.constant 80 : i32
      %xor3A = arith.constant 8 : i32
      %xor3A_26 = vector.broadcast %xor3A : i32 to vector<16xi32>
      %xor3A_27 = arith.xori %iota3A, %xor3A_26 : vector<16xi32>
      %lt3A = arith.constant 0 : i32
      %lt3A_28 = vector.broadcast %lt3A : i32 to vector<16xi32>
      %lt3A_29 = arith.cmpi slt, %xor3A_27, %lt3A_28 : vector<16xi32>
      %add3A = arith.constant 16 : i32
      %add3A_30 = vector.broadcast %add3A : i32 to vector<16xi32>
      %add3A_31 = arith.addi %xor3A_27, %add3A_30 : vector<16xi32>
      %select_n3A = arith.select %lt3A_29, %add3A_31, %xor3A_27 : vector<16xi1>, vector<16xi32>
      %broadcast_in_dim3A_32 = vector.shape_cast %select_n3A : vector<16xi32> to vector<16x1xi32>
      %gather3A = vector.shape_cast %broadcast_in_dim3A_32 : vector<16x1xi32> to vector<16xi32>
      %gather3A_33 = tpu.dynamic_gather %scan3A_24#0[%gather3A] in [0] : vector<16xf32>, vector<16xi32> -> vector<16xf32>
      %xor3A_34 = arith.constant 8 : i32
      %xor3A_35 = vector.broadcast %xor3A_34 : i32 to vector<16xi32>
      %xor3A_36 = arith.xori %iota3A, %xor3A_35 : vector<16xi32>
      %lt3A_37 = arith.constant 0 : i32
      %lt3A_38 = vector.broadcast %lt3A_37 : i32 to vector<16xi32>
      %lt3A_39 = arith.cmpi slt, %xor3A_36, %lt3A_38 : vector<16xi32>
      %add3A_40 = arith.constant 16 : i32
      %add3A_41 = vector.broadcast %add3A_40 : i32 to vector<16xi32>
      %add3A_42 = arith.addi %xor3A_36, %add3A_41 : vector<16xi32>
      %select_n3A_43 = arith.select %lt3A_39, %add3A_42, %xor3A_36 : vector<16xi1>, vector<16xi32>
      %broadcast_in_dim3A_44 = vector.shape_cast %select_n3A_43 : vector<16xi32> to vector<16x1xi32>
      %gather3A_45 = vector.shape_cast %broadcast_in_dim3A_44 : vector<16x1xi32> to vector<16xi32>
      %gather3A_46 = tpu.dynamic_gather %scan3A_24#1[%gather3A_45] in [0] : vector<16xi32>, vector<16xi32> -> vector<16xi32>
      %xor3A_47 = arith.constant 8 : i32
      %xor3A_48 = vector.broadcast %xor3A_47 : i32 to vector<16xi32>
      %xor3A_49 = arith.xori %iota3A, %xor3A_48 : vector<16xi32>
      %lt3A_50 = arith.constant 0 : i32
      %lt3A_51 = vector.broadcast %lt3A_50 : i32 to vector<16xi32>
      %lt3A_52 = arith.cmpi slt, %xor3A_49, %lt3A_51 : vector<16xi32>
      %add3A_53 = arith.constant 16 : i32
      %add3A_54 = vector.broadcast %add3A_53 : i32 to vector<16xi32>
      %add3A_55 = arith.addi %xor3A_49, %add3A_54 : vector<16xi32>
      %select_n3A_56 = arith.select %lt3A_52, %add3A_55, %xor3A_49 : vector<16xi1>, vector<16xi32>
      %broadcast_in_dim3A_57 = vector.shape_cast %select_n3A_56 : vector<16xi32> to vector<16x1xi32>
      %gather3A_58 = vector.shape_cast %broadcast_in_dim3A_57 : vector<16x1xi32> to vector<16xi32>
      %gather3A_59 = tpu.dynamic_gather %scan3A_24#2[%gather3A_58] in [0] : vector<16xf32>, vector<16xi32> -> vector<16xf32>
      %xor3A_60 = arith.constant 8 : i32
      %xor3A_61 = vector.broadcast %xor3A_60 : i32 to vector<16xi32>
      %xor3A_62 = arith.xori %iota3A, %xor3A_61 : vector<16xi32>
      %lt3A_63 = arith.constant 0 : i32
      %lt3A_64 = vector.broadcast %lt3A_63 : i32 to vector<16xi32>
      %lt3A_65 = arith.cmpi slt, %xor3A_62, %lt3A_64 : vector<16xi32>
      %add3A_66 = arith.constant 16 : i32
      %add3A_67 = vector.broadcast %add3A_66 : i32 to vector<16xi32>
      %add3A_68 = arith.addi %xor3A_62, %add3A_67 : vector<16xi32>
      %select_n3A_69 = arith.select %lt3A_65, %add3A_68, %xor3A_62 : vector<16xi1>, vector<16xi32>
      %broadcast_in_dim3A_70 = vector.shape_cast %select_n3A_69 : vector<16xi32> to vector<16x1xi32>
      %gather3A_71 = vector.shape_cast %broadcast_in_dim3A_70 : vector<16x1xi32> to vector<16xi32>
      %gather3A_72 = tpu.dynamic_gather %scan3A_24#3[%gather3A_71] in [0] : vector<16xf32>, vector<16xi32> -> vector<16xf32>
      %xor3A_73 = arith.constant 8 : i32
      %xor3A_74 = vector.broadcast %xor3A_73 : i32 to vector<16xi32>
      %xor3A_75 = arith.xori %iota3A, %xor3A_74 : vector<16xi32>
      %lt3A_76 = arith.constant 0 : i32
      %lt3A_77 = vector.broadcast %lt3A_76 : i32 to vector<16xi32>
      %lt3A_78 = arith.cmpi slt, %xor3A_75, %lt3A_77 : vector<16xi32>
      %add3A_79 = arith.constant 16 : i32
      %add3A_80 = vector.broadcast %add3A_79 : i32 to vector<16xi32>
      %add3A_81 = arith.addi %xor3A_75, %add3A_80 : vector<16xi32>
      %select_n3A_82 = arith.select %lt3A_78, %add3A_81, %xor3A_75 : vector<16xi1>, vector<16xi32>
      %broadcast_in_dim3A_83 = vector.shape_cast %select_n3A_82 : vector<16xi32> to vector<16x1xi32>
      %gather3A_84 = vector.shape_cast %broadcast_in_dim3A_83 : vector<16x1xi32> to vector<16xi32>
      %gather3A_85 = tpu.dynamic_gather %scan3A_24#4[%gather3A_84] in [0] : vector<16xf32>, vector<16xi32> -> vector<16xf32>
      %xor3A_86 = arith.constant 8 : i32
      %xor3A_87 = vector.broadcast %xor3A_86 : i32 to vector<16xi32>
      %xor3A_88 = arith.xori %iota3A, %xor3A_87 : vector<16xi32>
      %lt3A_89 = arith.constant 0 : i32
      %lt3A_90 = vector.broadcast %lt3A_89 : i32 to vector<16xi32>
      %lt3A_91 = arith.cmpi slt, %xor3A_88, %lt3A_90 : vector<16xi32>
      %add3A_92 = arith.constant 16 : i32
      %add3A_93 = vector.broadcast %add3A_92 : i32 to vector<16xi32>
      %add3A_94 = arith.addi %xor3A_88, %add3A_93 : vector<16xi32>
      %select_n3A_95 = arith.select %lt3A_91, %add3A_94, %xor3A_88 : vector<16xi1>, vector<16xi32>
      %broadcast_in_dim3A_96 = vector.shape_cast %select_n3A_95 : vector<16xi32> to vector<16x1xi32>
      %gather3A_97 = vector.shape_cast %broadcast_in_dim3A_96 : vector<16x1xi32> to vector<16xi32>
      %gather3A_98 = tpu.dynamic_gather %scan3A_24#5[%gather3A_97] in [0] : vector<16xf32>, vector<16xi32> -> vector<16xf32>
      %le3A = arith.cmpi sle, %scan3A_24#1, %gather3A_46 : vector<16xi32>
      %jit3A = arith.constant 1.000000e+00 : f32
      %jit3A_99 = arith.constant 0.000000e+00 : f32
      %broadcast_in_dim3A_100 = vector.broadcast %jit3A : f32 to vector<16xf32>
      %broadcast_in_dim3A_101 = vector.broadcast %jit3A_99 : f32 to vector<16xf32>
      %select_n3A_102 = arith.select %le3A, %broadcast_in_dim3A_100, %broadcast_in_dim3A_101 : vector<16xi1>, vector<16xf32>
      %gt3A = arith.cmpf ogt, %scan3A_24#0, %gather3A_33 : vector<16xf32>
      %gt3A_103 = arith.cmpf ogt, %gather3A_33, %scan3A_24#0 : vector<16xf32>
      %jit3A_104 = arith.constant 0.000000e+00 : f32
      %broadcast_in_dim3A_105 = vector.broadcast %jit3A_104 : f32 to vector<16xf32>
      %select_n3A_106 = arith.select %gt3A_103, %broadcast_in_dim3A_105, %select_n3A_102 : vector<16xi1>, vector<16xf32>
      %jit3A_107 = arith.constant 1.000000e+00 : f32
      %broadcast_in_dim3A_108 = vector.broadcast %jit3A_107 : f32 to vector<16xf32>
      %select_n3A_109 = arith.select %gt3A, %broadcast_in_dim3A_108, %select_n3A_106 : vector<16xi1>, vector<16xf32>
      %gt3A_110 = arith.constant 5.000000e-01 : f32
      %gt3A_111 = vector.broadcast %gt3A_110 : f32 to vector<16xf32>
      %gt3A_112 = arith.cmpf ogt, %select_n3A_109, %gt3A_111 : vector<16xf32>
      %select_n3A_113 = arith.select %gt3A_112, %scan3A_24#0, %gather3A_33 : vector<16xi1>, vector<16xf32>
      %select_n3A_114 = arith.select %gt3A_112, %scan3A_24#1, %gather3A_46 : vector<16xi1>, vector<16xi32>
      %select_n3A_115 = arith.select %gt3A_112, %scan3A_24#2, %gather3A_59 : vector<16xi1>, vector<16xf32>
      %select_n3A_116 = arith.select %gt3A_112, %scan3A_24#3, %gather3A_72 : vector<16xi1>, vector<16xf32>
      %select_n3A_117 = arith.select %gt3A_112, %scan3A_24#4, %gather3A_85 : vector<16xi1>, vector<16xf32>
      %select_n3A_118 = arith.select %gt3A_112, %scan3A_24#5, %gather3A_98 : vector<16xi1>, vector<16xf32>
      %xor3A_119 = arith.constant 4 : i32
      %xor3A_120 = vector.broadcast %xor3A_119 : i32 to vector<16xi32>
      %xor3A_121 = arith.xori %iota3A, %xor3A_120 : vector<16xi32>
      %lt3A_122 = arith.constant 0 : i32
      %lt3A_123 = vector.broadcast %lt3A_122 : i32 to vector<16xi32>
      %lt3A_124 = arith.cmpi slt, %xor3A_121, %lt3A_123 : vector<16xi32>
      %add3A_125 = arith.constant 16 : i32
      %add3A_126 = vector.broadcast %add3A_125 : i32 to vector<16xi32>
      %add3A_127 = arith.addi %xor3A_121, %add3A_126 : vector<16xi32>
      %select_n3A_128 = arith.select %lt3A_124, %add3A_127, %xor3A_121 : vector<16xi1>, vector<16xi32>
      %broadcast_in_dim3A_129 = vector.shape_cast %select_n3A_128 : vector<16xi32> to vector<16x1xi32>
      %gather3A_130 = vector.shape_cast %broadcast_in_dim3A_129 : vector<16x1xi32> to vector<16xi32>
      %gather3A_131 = tpu.dynamic_gather %select_n3A_113[%gather3A_130] in [0] : vector<16xf32>, vector<16xi32> -> vector<16xf32>
      %xor3A_132 = arith.constant 4 : i32
      %xor3A_133 = vector.broadcast %xor3A_132 : i32 to vector<16xi32>
      %xor3A_134 = arith.xori %iota3A, %xor3A_133 : vector<16xi32>
      %lt3A_135 = arith.constant 0 : i32
      %lt3A_136 = vector.broadcast %lt3A_135 : i32 to vector<16xi32>
      %lt3A_137 = arith.cmpi slt, %xor3A_134, %lt3A_136 : vector<16xi32>
      %add3A_138 = arith.constant 16 : i32
      %add3A_139 = vector.broadcast %add3A_138 : i32 to vector<16xi32>
      %add3A_140 = arith.addi %xor3A_134, %add3A_139 : vector<16xi32>
      %select_n3A_141 = arith.select %lt3A_137, %add3A_140, %xor3A_134 : vector<16xi1>, vector<16xi32>
      %broadcast_in_dim3A_142 = vector.shape_cast %select_n3A_141 : vector<16xi32> to vector<16x1xi32>
      %gather3A_143 = vector.shape_cast %broadcast_in_dim3A_142 : vector<16x1xi32> to vector<16xi32>
      %gather3A_144 = tpu.dynamic_gather %select_n3A_114[%gather3A_143] in [0] : vector<16xi32>, vector<16xi32> -> vector<16xi32>
      %xor3A_145 = arith.constant 4 : i32
      %xor3A_146 = vector.broadcast %xor3A_145 : i32 to vector<16xi32>
      %xor3A_147 = arith.xori %iota3A, %xor3A_146 : vector<16xi32>
      %lt3A_148 = arith.constant 0 : i32
      %lt3A_149 = vector.broadcast %lt3A_148 : i32 to vector<16xi32>
      %lt3A_150 = arith.cmpi slt, %xor3A_147, %lt3A_149 : vector<16xi32>
      %add3A_151 = arith.constant 16 : i32
      %add3A_152 = vector.broadcast %add3A_151 : i32 to vector<16xi32>
      %add3A_153 = arith.addi %xor3A_147, %add3A_152 : vector<16xi32>
      %select_n3A_154 = arith.select %lt3A_150, %add3A_153, %xor3A_147 : vector<16xi1>, vector<16xi32>
      %broadcast_in_dim3A_155 = vector.shape_cast %select_n3A_154 : vector<16xi32> to vector<16x1xi32>
      %gather3A_156 = vector.shape_cast %broadcast_in_dim3A_155 : vector<16x1xi32> to vector<16xi32>
      %gather3A_157 = tpu.dynamic_gather %select_n3A_115[%gather3A_156] in [0] : vector<16xf32>, vector<16xi32> -> vector<16xf32>
      %xor3A_158 = arith.constant 4 : i32
      %xor3A_159 = vector.broadcast %xor3A_158 : i32 to vector<16xi32>
      %xor3A_160 = arith.xori %iota3A, %xor3A_159 : vector<16xi32>
      %lt3A_161 = arith.constant 0 : i32
      %lt3A_162 = vector.broadcast %lt3A_161 : i32 to vector<16xi32>
      %lt3A_163 = arith.cmpi slt, %xor3A_160, %lt3A_162 : vector<16xi32>
      %add3A_164 = arith.constant 16 : i32
      %add3A_165 = vector.broadcast %add3A_164 : i32 to vector<16xi32>
      %add3A_166 = arith.addi %xor3A_160, %add3A_165 : vector<16xi32>
      %select_n3A_167 = arith.select %lt3A_163, %add3A_166, %xor3A_160 : vector<16xi1>, vector<16xi32>
      %broadcast_in_dim3A_168 = vector.shape_cast %select_n3A_167 : vector<16xi32> to vector<16x1xi32>
      %gather3A_169 = vector.shape_cast %broadcast_in_dim3A_168 : vector<16x1xi32> to vector<16xi32>
      %gather3A_170 = tpu.dynamic_gather %select_n3A_116[%gather3A_169] in [0] : vector<16xf32>, vector<16xi32> -> vector<16xf32>
      %xor3A_171 = arith.constant 4 : i32
      %xor3A_172 = vector.broadcast %xor3A_171 : i32 to vector<16xi32>
      %xor3A_173 = arith.xori %iota3A, %xor3A_172 : vector<16xi32>
      %lt3A_174 = arith.constant 0 : i32
      %lt3A_175 = vector.broadcast %lt3A_174 : i32 to vector<16xi32>
      %lt3A_176 = arith.cmpi slt, %xor3A_173, %lt3A_175 : vector<16xi32>
      %add3A_177 = arith.constant 16 : i32
      %add3A_178 = vector.broadcast %add3A_177 : i32 to vector<16xi32>
      %add3A_179 = arith.addi %xor3A_173, %add3A_178 : vector<16xi32>
      %select_n3A_180 = arith.select %lt3A_176, %add3A_179, %xor3A_173 : vector<16xi1>, vector<16xi32>
      %broadcast_in_dim3A_181 = vector.shape_cast %select_n3A_180 : vector<16xi32> to vector<16x1xi32>
      %gather3A_182 = vector.shape_cast %broadcast_in_dim3A_181 : vector<16x1xi32> to vector<16xi32>
      %gather3A_183 = tpu.dynamic_gather %select_n3A_117[%gather3A_182] in [0] : vector<16xf32>, vector<16xi32> -> vector<16xf32>
      %xor3A_184 = arith.constant 4 : i32
      %xor3A_185 = vector.broadcast %xor3A_184 : i32 to vector<16xi32>
      %xor3A_186 = arith.xori %iota3A, %xor3A_185 : vector<16xi32>
      %lt3A_187 = arith.constant 0 : i32
      %lt3A_188 = vector.broadcast %lt3A_187 : i32 to vector<16xi32>
      %lt3A_189 = arith.cmpi slt, %xor3A_186, %lt3A_188 : vector<16xi32>
      %add3A_190 = arith.constant 16 : i32
      %add3A_191 = vector.broadcast %add3A_190 : i32 to vector<16xi32>
      %add3A_192 = arith.addi %xor3A_186, %add3A_191 : vector<16xi32>
      %select_n3A_193 = arith.select %lt3A_189, %add3A_192, %xor3A_186 : vector<16xi1>, vector<16xi32>
      %broadcast_in_dim3A_194 = vector.shape_cast %select_n3A_193 : vector<16xi32> to vector<16x1xi32>
      %gather3A_195 = vector.shape_cast %broadcast_in_dim3A_194 : vector<16x1xi32> to vector<16xi32>
      %gather3A_196 = tpu.dynamic_gather %select_n3A_118[%gather3A_195] in [0] : vector<16xf32>, vector<16xi32> -> vector<16xf32>
      %le3A_197 = arith.cmpi sle, %select_n3A_114, %gather3A_144 : vector<16xi32>
      %jit3A_198 = arith.constant 1.000000e+00 : f32
      %jit3A_199 = arith.constant 0.000000e+00 : f32
      %broadcast_in_dim3A_200 = vector.broadcast %jit3A_198 : f32 to vector<16xf32>
      %broadcast_in_dim3A_201 = vector.broadcast %jit3A_199 : f32 to vector<16xf32>
      %select_n3A_202 = arith.select %le3A_197, %broadcast_in_dim3A_200, %broadcast_in_dim3A_201 : vector<16xi1>, vector<16xf32>
      %gt3A_203 = arith.cmpf ogt, %select_n3A_113, %gather3A_131 : vector<16xf32>
      %gt3A_204 = arith.cmpf ogt, %gather3A_131, %select_n3A_113 : vector<16xf32>
      %jit3A_205 = arith.constant 0.000000e+00 : f32
      %broadcast_in_dim3A_206 = vector.broadcast %jit3A_205 : f32 to vector<16xf32>
      %select_n3A_207 = arith.select %gt3A_204, %broadcast_in_dim3A_206, %select_n3A_202 : vector<16xi1>, vector<16xf32>
      %jit3A_208 = arith.constant 1.000000e+00 : f32
      %broadcast_in_dim3A_209 = vector.broadcast %jit3A_208 : f32 to vector<16xf32>
      %select_n3A_210 = arith.select %gt3A_203, %broadcast_in_dim3A_209, %select_n3A_207 : vector<16xi1>, vector<16xf32>
      %gt3A_211 = arith.constant 5.000000e-01 : f32
      %gt3A_212 = vector.broadcast %gt3A_211 : f32 to vector<16xf32>
      %gt3A_213 = arith.cmpf ogt, %select_n3A_210, %gt3A_212 : vector<16xf32>
      %select_n3A_214 = arith.select %gt3A_213, %select_n3A_113, %gather3A_131 : vector<16xi1>, vector<16xf32>
      %select_n3A_215 = arith.select %gt3A_213, %select_n3A_114, %gather3A_144 : vector<16xi1>, vector<16xi32>
      %select_n3A_216 = arith.select %gt3A_213, %select_n3A_115, %gather3A_157 : vector<16xi1>, vector<16xf32>
      %select_n3A_217 = arith.select %gt3A_213, %select_n3A_116, %gather3A_170 : vector<16xi1>, vector<16xf32>
      %select_n3A_218 = arith.select %gt3A_213, %select_n3A_117, %gather3A_183 : vector<16xi1>, vector<16xf32>
      %select_n3A_219 = arith.select %gt3A_213, %select_n3A_118, %gather3A_196 : vector<16xi1>, vector<16xf32>
      %xor3A_220 = arith.constant 2 : i32
      %xor3A_221 = vector.broadcast %xor3A_220 : i32 to vector<16xi32>
      %xor3A_222 = arith.xori %iota3A, %xor3A_221 : vector<16xi32>
      %lt3A_223 = arith.constant 0 : i32
      %lt3A_224 = vector.broadcast %lt3A_223 : i32 to vector<16xi32>
      %lt3A_225 = arith.cmpi slt, %xor3A_222, %lt3A_224 : vector<16xi32>
      %add3A_226 = arith.constant 16 : i32
      %add3A_227 = vector.broadcast %add3A_226 : i32 to vector<16xi32>
      %add3A_228 = arith.addi %xor3A_222, %add3A_227 : vector<16xi32>
      %select_n3A_229 = arith.select %lt3A_225, %add3A_228, %xor3A_222 : vector<16xi1>, vector<16xi32>
      %broadcast_in_dim3A_230 = vector.shape_cast %select_n3A_229 : vector<16xi32> to vector<16x1xi32>
      %gather3A_231 = vector.shape_cast %broadcast_in_dim3A_230 : vector<16x1xi32> to vector<16xi32>
      %gather3A_232 = tpu.dynamic_gather %select_n3A_214[%gather3A_231] in [0] : vector<16xf32>, vector<16xi32> -> vector<16xf32>
      %xor3A_233 = arith.constant 2 : i32
      %xor3A_234 = vector.broadcast %xor3A_233 : i32 to vector<16xi32>
      %xor3A_235 = arith.xori %iota3A, %xor3A_234 : vector<16xi32>
      %lt3A_236 = arith.constant 0 : i32
      %lt3A_237 = vector.broadcast %lt3A_236 : i32 to vector<16xi32>
      %lt3A_238 = arith.cmpi slt, %xor3A_235, %lt3A_237 : vector<16xi32>
      %add3A_239 = arith.constant 16 : i32
      %add3A_240 = vector.broadcast %add3A_239 : i32 to vector<16xi32>
      %add3A_241 = arith.addi %xor3A_235, %add3A_240 : vector<16xi32>
      %select_n3A_242 = arith.select %lt3A_238, %add3A_241, %xor3A_235 : vector<16xi1>, vector<16xi32>
      %broadcast_in_dim3A_243 = vector.shape_cast %select_n3A_242 : vector<16xi32> to vector<16x1xi32>
      %gather3A_244 = vector.shape_cast %broadcast_in_dim3A_243 : vector<16x1xi32> to vector<16xi32>
      %gather3A_245 = tpu.dynamic_gather %select_n3A_215[%gather3A_244] in [0] : vector<16xi32>, vector<16xi32> -> vector<16xi32>
      %xor3A_246 = arith.constant 2 : i32
      %xor3A_247 = vector.broadcast %xor3A_246 : i32 to vector<16xi32>
      %xor3A_248 = arith.xori %iota3A, %xor3A_247 : vector<16xi32>
      %lt3A_249 = arith.constant 0 : i32
      %lt3A_250 = vector.broadcast %lt3A_249 : i32 to vector<16xi32>
      %lt3A_251 = arith.cmpi slt, %xor3A_248, %lt3A_250 : vector<16xi32>
      %add3A_252 = arith.constant 16 : i32
      %add3A_253 = vector.broadcast %add3A_252 : i32 to vector<16xi32>
      %add3A_254 = arith.addi %xor3A_248, %add3A_253 : vector<16xi32>
      %select_n3A_255 = arith.select %lt3A_251, %add3A_254, %xor3A_248 : vector<16xi1>, vector<16xi32>
      %broadcast_in_dim3A_256 = vector.shape_cast %select_n3A_255 : vector<16xi32> to vector<16x1xi32>
      %gather3A_257 = vector.shape_cast %broadcast_in_dim3A_256 : vector<16x1xi32> to vector<16xi32>
      %gather3A_258 = tpu.dynamic_gather %select_n3A_216[%gather3A_257] in [0] : vector<16xf32>, vector<16xi32> -> vector<16xf32>
      %xor3A_259 = arith.constant 2 : i32
      %xor3A_260 = vector.broadcast %xor3A_259 : i32 to vector<16xi32>
      %xor3A_261 = arith.xori %iota3A, %xor3A_260 : vector<16xi32>
      %lt3A_262 = arith.constant 0 : i32
      %lt3A_263 = vector.broadcast %lt3A_262 : i32 to vector<16xi32>
      %lt3A_264 = arith.cmpi slt, %xor3A_261, %lt3A_263 : vector<16xi32>
      %add3A_265 = arith.constant 16 : i32
      %add3A_266 = vector.broadcast %add3A_265 : i32 to vector<16xi32>
      %add3A_267 = arith.addi %xor3A_261, %add3A_266 : vector<16xi32>
      %select_n3A_268 = arith.select %lt3A_264, %add3A_267, %xor3A_261 : vector<16xi1>, vector<16xi32>
      %broadcast_in_dim3A_269 = vector.shape_cast %select_n3A_268 : vector<16xi32> to vector<16x1xi32>
      %gather3A_270 = vector.shape_cast %broadcast_in_dim3A_269 : vector<16x1xi32> to vector<16xi32>
      %gather3A_271 = tpu.dynamic_gather %select_n3A_217[%gather3A_270] in [0] : vector<16xf32>, vector<16xi32> -> vector<16xf32>
      %xor3A_272 = arith.constant 2 : i32
      %xor3A_273 = vector.broadcast %xor3A_272 : i32 to vector<16xi32>
      %xor3A_274 = arith.xori %iota3A, %xor3A_273 : vector<16xi32>
      %lt3A_275 = arith.constant 0 : i32
      %lt3A_276 = vector.broadcast %lt3A_275 : i32 to vector<16xi32>
      %lt3A_277 = arith.cmpi slt, %xor3A_274, %lt3A_276 : vector<16xi32>
      %add3A_278 = arith.constant 16 : i32
      %add3A_279 = vector.broadcast %add3A_278 : i32 to vector<16xi32>
      %add3A_280 = arith.addi %xor3A_274, %add3A_279 : vector<16xi32>
      %select_n3A_281 = arith.select %lt3A_277, %add3A_280, %xor3A_274 : vector<16xi1>, vector<16xi32>
      %broadcast_in_dim3A_282 = vector.shape_cast %select_n3A_281 : vector<16xi32> to vector<16x1xi32>
      %gather3A_283 = vector.shape_cast %broadcast_in_dim3A_282 : vector<16x1xi32> to vector<16xi32>
      %gather3A_284 = tpu.dynamic_gather %select_n3A_218[%gather3A_283] in [0] : vector<16xf32>, vector<16xi32> -> vector<16xf32>
      %xor3A_285 = arith.constant 2 : i32
      %xor3A_286 = vector.broadcast %xor3A_285 : i32 to vector<16xi32>
      %xor3A_287 = arith.xori %iota3A, %xor3A_286 : vector<16xi32>
      %lt3A_288 = arith.constant 0 : i32
      %lt3A_289 = vector.broadcast %lt3A_288 : i32 to vector<16xi32>
      %lt3A_290 = arith.cmpi slt, %xor3A_287, %lt3A_289 : vector<16xi32>
      %add3A_291 = arith.constant 16 : i32
      %add3A_292 = vector.broadcast %add3A_291 : i32 to vector<16xi32>
      %add3A_293 = arith.addi %xor3A_287, %add3A_292 : vector<16xi32>
      %select_n3A_294 = arith.select %lt3A_290, %add3A_293, %xor3A_287 : vector<16xi1>, vector<16xi32>
      %broadcast_in_dim3A_295 = vector.shape_cast %select_n3A_294 : vector<16xi32> to vector<16x1xi32>
      %gather3A_296 = vector.shape_cast %broadcast_in_dim3A_295 : vector<16x1xi32> to vector<16xi32>
      %gather3A_297 = tpu.dynamic_gather %select_n3A_219[%gather3A_296] in [0] : vector<16xf32>, vector<16xi32> -> vector<16xf32>
      %le3A_298 = arith.cmpi sle, %select_n3A_215, %gather3A_245 : vector<16xi32>
      %jit3A_299 = arith.constant 1.000000e+00 : f32
      %jit3A_300 = arith.constant 0.000000e+00 : f32
      %broadcast_in_dim3A_301 = vector.broadcast %jit3A_299 : f32 to vector<16xf32>
      %broadcast_in_dim3A_302 = vector.broadcast %jit3A_300 : f32 to vector<16xf32>
      %select_n3A_303 = arith.select %le3A_298, %broadcast_in_dim3A_301, %broadcast_in_dim3A_302 : vector<16xi1>, vector<16xf32>
      %gt3A_304 = arith.cmpf ogt, %select_n3A_214, %gather3A_232 : vector<16xf32>
      %gt3A_305 = arith.cmpf ogt, %gather3A_232, %select_n3A_214 : vector<16xf32>
      %jit3A_306 = arith.constant 0.000000e+00 : f32
      %broadcast_in_dim3A_307 = vector.broadcast %jit3A_306 : f32 to vector<16xf32>
      %select_n3A_308 = arith.select %gt3A_305, %broadcast_in_dim3A_307, %select_n3A_303 : vector<16xi1>, vector<16xf32>
      %jit3A_309 = arith.constant 1.000000e+00 : f32
      %broadcast_in_dim3A_310 = vector.broadcast %jit3A_309 : f32 to vector<16xf32>
      %select_n3A_311 = arith.select %gt3A_304, %broadcast_in_dim3A_310, %select_n3A_308 : vector<16xi1>, vector<16xf32>
      %gt3A_312 = arith.constant 5.000000e-01 : f32
      %gt3A_313 = vector.broadcast %gt3A_312 : f32 to vector<16xf32>
      %gt3A_314 = arith.cmpf ogt, %select_n3A_311, %gt3A_313 : vector<16xf32>
      %select_n3A_315 = arith.select %gt3A_314, %select_n3A_214, %gather3A_232 : vector<16xi1>, vector<16xf32>
      %select_n3A_316 = arith.select %gt3A_314, %select_n3A_215, %gather3A_245 : vector<16xi1>, vector<16xi32>
      %select_n3A_317 = arith.select %gt3A_314, %select_n3A_216, %gather3A_258 : vector<16xi1>, vector<16xf32>
      %select_n3A_318 = arith.select %gt3A_314, %select_n3A_217, %gather3A_271 : vector<16xi1>, vector<16xf32>
      %select_n3A_319 = arith.select %gt3A_314, %select_n3A_218, %gather3A_284 : vector<16xi1>, vector<16xf32>
      %select_n3A_320 = arith.select %gt3A_314, %select_n3A_219, %gather3A_297 : vector<16xi1>, vector<16xf32>
      %xor3A_321 = arith.constant 1 : i32
      %xor3A_322 = vector.broadcast %xor3A_321 : i32 to vector<16xi32>
      %xor3A_323 = arith.xori %iota3A, %xor3A_322 : vector<16xi32>
      %lt3A_324 = arith.constant 0 : i32
      %lt3A_325 = vector.broadcast %lt3A_324 : i32 to vector<16xi32>
      %lt3A_326 = arith.cmpi slt, %xor3A_323, %lt3A_325 : vector<16xi32>
      %add3A_327 = arith.constant 16 : i32
      %add3A_328 = vector.broadcast %add3A_327 : i32 to vector<16xi32>
      %add3A_329 = arith.addi %xor3A_323, %add3A_328 : vector<16xi32>
      %select_n3A_330 = arith.select %lt3A_326, %add3A_329, %xor3A_323 : vector<16xi1>, vector<16xi32>
      %broadcast_in_dim3A_331 = vector.shape_cast %select_n3A_330 : vector<16xi32> to vector<16x1xi32>
      %gather3A_332 = vector.shape_cast %broadcast_in_dim3A_331 : vector<16x1xi32> to vector<16xi32>
      %gather3A_333 = tpu.dynamic_gather %select_n3A_315[%gather3A_332] in [0] : vector<16xf32>, vector<16xi32> -> vector<16xf32>
      %xor3A_334 = arith.constant 1 : i32
      %xor3A_335 = vector.broadcast %xor3A_334 : i32 to vector<16xi32>
      %xor3A_336 = arith.xori %iota3A, %xor3A_335 : vector<16xi32>
      %lt3A_337 = arith.constant 0 : i32
      %lt3A_338 = vector.broadcast %lt3A_337 : i32 to vector<16xi32>
      %lt3A_339 = arith.cmpi slt, %xor3A_336, %lt3A_338 : vector<16xi32>
      %add3A_340 = arith.constant 16 : i32
      %add3A_341 = vector.broadcast %add3A_340 : i32 to vector<16xi32>
      %add3A_342 = arith.addi %xor3A_336, %add3A_341 : vector<16xi32>
      %select_n3A_343 = arith.select %lt3A_339, %add3A_342, %xor3A_336 : vector<16xi1>, vector<16xi32>
      %broadcast_in_dim3A_344 = vector.shape_cast %select_n3A_343 : vector<16xi32> to vector<16x1xi32>
      %gather3A_345 = vector.shape_cast %broadcast_in_dim3A_344 : vector<16x1xi32> to vector<16xi32>
      %gather3A_346 = tpu.dynamic_gather %select_n3A_316[%gather3A_345] in [0] : vector<16xi32>, vector<16xi32> -> vector<16xi32>
      %xor3A_347 = arith.constant 1 : i32
      %xor3A_348 = vector.broadcast %xor3A_347 : i32 to vector<16xi32>
      %xor3A_349 = arith.xori %iota3A, %xor3A_348 : vector<16xi32>
      %lt3A_350 = arith.constant 0 : i32
      %lt3A_351 = vector.broadcast %lt3A_350 : i32 to vector<16xi32>
      %lt3A_352 = arith.cmpi slt, %xor3A_349, %lt3A_351 : vector<16xi32>
      %add3A_353 = arith.constant 16 : i32
      %add3A_354 = vector.broadcast %add3A_353 : i32 to vector<16xi32>
      %add3A_355 = arith.addi %xor3A_349, %add3A_354 : vector<16xi32>
      %select_n3A_356 = arith.select %lt3A_352, %add3A_355, %xor3A_349 : vector<16xi1>, vector<16xi32>
      %broadcast_in_dim3A_357 = vector.shape_cast %select_n3A_356 : vector<16xi32> to vector<16x1xi32>
      %gather3A_358 = vector.shape_cast %broadcast_in_dim3A_357 : vector<16x1xi32> to vector<16xi32>
      %gather3A_359 = tpu.dynamic_gather %select_n3A_317[%gather3A_358] in [0] : vector<16xf32>, vector<16xi32> -> vector<16xf32>
      %xor3A_360 = arith.constant 1 : i32
      %xor3A_361 = vector.broadcast %xor3A_360 : i32 to vector<16xi32>
      %xor3A_362 = arith.xori %iota3A, %xor3A_361 : vector<16xi32>
      %lt3A_363 = arith.constant 0 : i32
      %lt3A_364 = vector.broadcast %lt3A_363 : i32 to vector<16xi32>
      %lt3A_365 = arith.cmpi slt, %xor3A_362, %lt3A_364 : vector<16xi32>
      %add3A_366 = arith.constant 16 : i32
      %add3A_367 = vector.broadcast %add3A_366 : i32 to vector<16xi32>
      %add3A_368 = arith.addi %xor3A_362, %add3A_367 : vector<16xi32>
      %select_n3A_369 = arith.select %lt3A_365, %add3A_368, %xor3A_362 : vector<16xi1>, vector<16xi32>
      %broadcast_in_dim3A_370 = vector.shape_cast %select_n3A_369 : vector<16xi32> to vector<16x1xi32>
      %gather3A_371 = vector.shape_cast %broadcast_in_dim3A_370 : vector<16x1xi32> to vector<16xi32>
      %gather3A_372 = tpu.dynamic_gather %select_n3A_318[%gather3A_371] in [0] : vector<16xf32>, vector<16xi32> -> vector<16xf32>
      %xor3A_373 = arith.constant 1 : i32
      %xor3A_374 = vector.broadcast %xor3A_373 : i32 to vector<16xi32>
      %xor3A_375 = arith.xori %iota3A, %xor3A_374 : vector<16xi32>
      %lt3A_376 = arith.constant 0 : i32
      %lt3A_377 = vector.broadcast %lt3A_376 : i32 to vector<16xi32>
      %lt3A_378 = arith.cmpi slt, %xor3A_375, %lt3A_377 : vector<16xi32>
      %add3A_379 = arith.constant 16 : i32
      %add3A_380 = vector.broadcast %add3A_379 : i32 to vector<16xi32>
      %add3A_381 = arith.addi %xor3A_375, %add3A_380 : vector<16xi32>
      %select_n3A_382 = arith.select %lt3A_378, %add3A_381, %xor3A_375 : vector<16xi1>, vector<16xi32>
      %broadcast_in_dim3A_383 = vector.shape_cast %select_n3A_382 : vector<16xi32> to vector<16x1xi32>
      %gather3A_384 = vector.shape_cast %broadcast_in_dim3A_383 : vector<16x1xi32> to vector<16xi32>
      %gather3A_385 = tpu.dynamic_gather %select_n3A_319[%gather3A_384] in [0] : vector<16xf32>, vector<16xi32> -> vector<16xf32>
      %xor3A_386 = arith.constant 1 : i32
      %xor3A_387 = vector.broadcast %xor3A_386 : i32 to vector<16xi32>
      %xor3A_388 = arith.xori %iota3A, %xor3A_387 : vector<16xi32>
      %lt3A_389 = arith.constant 0 : i32
      %lt3A_390 = vector.broadcast %lt3A_389 : i32 to vector<16xi32>
      %lt3A_391 = arith.cmpi slt, %xor3A_388, %lt3A_390 : vector<16xi32>
      %add3A_392 = arith.constant 16 : i32
      %add3A_393 = vector.broadcast %add3A_392 : i32 to vector<16xi32>
      %add3A_394 = arith.addi %xor3A_388, %add3A_393 : vector<16xi32>
      %select_n3A_395 = arith.select %lt3A_391, %add3A_394, %xor3A_388 : vector<16xi1>, vector<16xi32>
      %broadcast_in_dim3A_396 = vector.shape_cast %select_n3A_395 : vector<16xi32> to vector<16x1xi32>
      %gather3A_397 = vector.shape_cast %broadcast_in_dim3A_396 : vector<16x1xi32> to vector<16xi32>
      %gather3A_398 = tpu.dynamic_gather %select_n3A_320[%gather3A_397] in [0] : vector<16xf32>, vector<16xi32> -> vector<16xf32>
      %le3A_399 = arith.cmpi sle, %select_n3A_316, %gather3A_346 : vector<16xi32>
      %jit3A_400 = arith.constant 1.000000e+00 : f32
      %jit3A_401 = arith.constant 0.000000e+00 : f32
      %broadcast_in_dim3A_402 = vector.broadcast %jit3A_400 : f32 to vector<16xf32>
      %broadcast_in_dim3A_403 = vector.broadcast %jit3A_401 : f32 to vector<16xf32>
      %select_n3A_404 = arith.select %le3A_399, %broadcast_in_dim3A_402, %broadcast_in_dim3A_403 : vector<16xi1>, vector<16xf32>
      %gt3A_405 = arith.cmpf ogt, %select_n3A_315, %gather3A_333 : vector<16xf32>
      %gt3A_406 = arith.cmpf ogt, %gather3A_333, %select_n3A_315 : vector<16xf32>
      %jit3A_407 = arith.constant 0.000000e+00 : f32
      %broadcast_in_dim3A_408 = vector.broadcast %jit3A_407 : f32 to vector<16xf32>
      %select_n3A_409 = arith.select %gt3A_406, %broadcast_in_dim3A_408, %select_n3A_404 : vector<16xi1>, vector<16xf32>
      %jit3A_410 = arith.constant 1.000000e+00 : f32
      %broadcast_in_dim3A_411 = vector.broadcast %jit3A_410 : f32 to vector<16xf32>
      %select_n3A_412 = arith.select %gt3A_405, %broadcast_in_dim3A_411, %select_n3A_409 : vector<16xi1>, vector<16xf32>
      %gt3A_413 = arith.constant 5.000000e-01 : f32
      %gt3A_414 = vector.broadcast %gt3A_413 : f32 to vector<16xf32>
      %gt3A_415 = arith.cmpf ogt, %select_n3A_412, %gt3A_414 : vector<16xf32>
      %select_n3A_416 = arith.select %gt3A_415, %select_n3A_315, %gather3A_333 : vector<16xi1>, vector<16xf32>
      %select_n3A_417 = arith.select %gt3A_415, %select_n3A_316, %gather3A_346 : vector<16xi1>, vector<16xi32>
      %select_n3A_418 = arith.select %gt3A_415, %select_n3A_317, %gather3A_359 : vector<16xi1>, vector<16xf32>
      %select_n3A_419 = arith.select %gt3A_415, %select_n3A_318, %gather3A_372 : vector<16xi1>, vector<16xf32>
      %select_n3A_420 = arith.select %gt3A_415, %select_n3A_319, %gather3A_385 : vector<16xi1>, vector<16xf32>
      %select_n3A_421 = arith.select %gt3A_415, %select_n3A_320, %gather3A_398 : vector<16xi1>, vector<16xf32>
      %eq3A = vector.broadcast %arg1 : i32 to vector<16xi32>
      %eq3A_422 = arith.cmpi eq, %iota3A, %eq3A : vector<16xi32>
      %add3A_423 = vector.broadcast %mul3A_0 : i32 to vector<16xi32>
      %add3A_424 = arith.addi %select_n3A_417, %add3A_423 : vector<16xi32>
      %convert_element_type3A_425 = arith.sitofp %add3A_424 : vector<16xi32> to vector<16xf32>
      %jit3A_426 = arith.constant -1.000000e+09 : f32
      %broadcast_in_dim3A_427 = vector.broadcast %jit3A_426 : f32 to vector<16xf32>
      %select_n3A_428 = arith.select %eq3A_422, %select_n3A_416, %broadcast_in_dim3A_427 : vector<16xi1>, vector<16xf32>
      %swap3A = arith.constant 0 : index
      %swap3A_429 = tpu.vector_load %arg14[%swap3A] {strides = array<i32>} : memref<96xf32, #tpu.memory_space<vmem>>, vector<16xf32>,
      %swap3A_430 = vector.shape_cast %swap3A_429 : vector<16xf32> to vector<16xf32>
      %swap3A_431 = vector.shape_cast %select_n3A_428 : vector<16xf32> to vector<16xf32>
      tpu.vector_store %arg14[%swap3A], %swap3A_431 {strides = array<i32>} : memref<96xf32, #tpu.memory_space<vmem>>, vector<16xf32>,
      %jit3A_432 = arith.constant 1.000000e+09 : f32
      %broadcast_in_dim3A_433 = vector.broadcast %jit3A_432 : f32 to vector<16xf32>
      %select_n3A_434 = arith.select %eq3A_422, %convert_element_type3A_425, %broadcast_in_dim3A_433 : vector<16xi1>, vector<16xf32>
      %swap3A_435 = arith.constant 16 : index
      %swap3A_436 = tpu.vector_load %arg14[%swap3A_435] {strides = array<i32>} : memref<96xf32, #tpu.memory_space<vmem>>, vector<16xf32>,
      %swap3A_437 = vector.shape_cast %swap3A_436 : vector<16xf32> to vector<16xf32>
      %swap3A_438 = vector.shape_cast %select_n3A_434 : vector<16xf32> to vector<16xf32>
      tpu.vector_store %arg14[%swap3A_435], %swap3A_438 {strides = array<i32>} : memref<96xf32, #tpu.memory_space<vmem>>, vector<16xf32>,
      %jit3A_439 = arith.constant 3.000000e+38 : f32
      %broadcast_in_dim3A_440 = vector.broadcast %jit3A_439 : f32 to vector<16xf32>
      %select_n3A_441 = arith.select %eq3A_422, %select_n3A_418, %broadcast_in_dim3A_440 : vector<16xi1>, vector<16xf32>
      %swap3A_442 = arith.constant 32 : index
      %swap3A_443 = tpu.vector_load %arg14[%swap3A_442] {strides = array<i32>} : memref<96xf32, #tpu.memory_space<vmem>>, vector<16xf32>,
      %swap3A_444 = vector.shape_cast %swap3A_443 : vector<16xf32> to vector<16xf32>
      %swap3A_445 = vector.shape_cast %select_n3A_441 : vector<16xf32> to vector<16xf32>
      tpu.vector_store %arg14[%swap3A_442], %swap3A_445 {strides = array<i32>} : memref<96xf32, #tpu.memory_space<vmem>>, vector<16xf32>,
      %jit3A_446 = arith.constant 3.000000e+38 : f32
      %broadcast_in_dim3A_447 = vector.broadcast %jit3A_446 : f32 to vector<16xf32>
      %select_n3A_448 = arith.select %eq3A_422, %select_n3A_419, %broadcast_in_dim3A_447 : vector<16xi1>, vector<16xf32>
      %swap3A_449 = arith.constant 48 : index
      %swap3A_450 = tpu.vector_load %arg14[%swap3A_449] {strides = array<i32>} : memref<96xf32, #tpu.memory_space<vmem>>, vector<16xf32>,
      %swap3A_451 = vector.shape_cast %swap3A_450 : vector<16xf32> to vector<16xf32>
      %swap3A_452 = vector.shape_cast %select_n3A_448 : vector<16xf32> to vector<16xf32>
      tpu.vector_store %arg14[%swap3A_449], %swap3A_452 {strides = array<i32>} : memref<96xf32, #tpu.memory_space<vmem>>, vector<16xf32>,
      %jit3A_453 = arith.constant 3.000000e+38 : f32
      %broadcast_in_dim3A_454 = vector.broadcast %jit3A_453 : f32 to vector<16xf32>
      %select_n3A_455 = arith.select %eq3A_422, %select_n3A_420, %broadcast_in_dim3A_454 : vector<16xi1>, vector<16xf32>
      %swap3A_456 = arith.constant 64 : index
      %swap3A_457 = tpu.vector_load %arg14[%swap3A_456] {strides = array<i32>} : memref<96xf32, #tpu.memory_space<vmem>>, vector<16xf32>,
      %swap3A_458 = vector.shape_cast %swap3A_457 : vector<16xf32> to vector<16xf32>
      %swap3A_459 = vector.shape_cast %select_n3A_455 : vector<16xf32> to vector<16xf32>
      tpu.vector_store %arg14[%swap3A_456], %swap3A_459 {strides = array<i32>} : memref<96xf32, #tpu.memory_space<vmem>>, vector<16xf32>,
      %jit3A_460 = arith.constant 3.000000e+38 : f32
      %broadcast_in_dim3A_461 = vector.broadcast %jit3A_460 : f32 to vector<16xf32>
      %select_n3A_462 = arith.select %eq3A_422, %select_n3A_421, %broadcast_in_dim3A_461 : vector<16xi1>, vector<16xf32>
      %swap3A_463 = arith.constant 80 : index
      %swap3A_464 = tpu.vector_load %arg14[%swap3A_463] {strides = array<i32>} : memref<96xf32, #tpu.memory_space<vmem>>, vector<16xf32>,
      %swap3A_465 = vector.shape_cast %swap3A_464 : vector<16xf32> to vector<16xf32>
      %swap3A_466 = vector.shape_cast %select_n3A_462 : vector<16xf32> to vector<16xf32>
      tpu.vector_store %arg14[%swap3A_463], %swap3A_466 {strides = array<i32>} : memref<96xf32, #tpu.memory_space<vmem>>, vector<16xf32>,
      %mul3A_467 = arith.constant 96 : i32
      %mul3A_468 = arith.muli %arg1, %mul3A_467 : i32
      "tpu.region"() ({
        %run_scoped3A = tpu.sem_alloc : memref<!tpu.dma_semaphore, #tpu.memory_space<semaphore_mem>>
        %dma_start3A = tpu.memref_slice %arg17[%mul3A_468] : memref<1536xf32, #tpu.memory_space<vmem_shared>> -> memref<96xf32, #tpu.memory_space<vmem_shared>>
        %dma_start3A_1255 = tpu.memref_slice %arg17[%mul3A_468] : memref<1536xf32, #tpu.memory_space<vmem_shared>> -> memref<96xf32, #tpu.memory_space<vmem_shared>>
        tpu.enqueue_dma source(%arg14 : memref<96xf32, #tpu.memory_space<vmem>>) target(%dma_start3A_1255 : memref<96xf32, #tpu.memory_space<vmem_shared>>) target_semaphore(%run_scoped3A : memref<!tpu.dma_semaphore, #tpu.memory_space<semaphore_mem>>)
        %dma_wait3A = tpu.memref_slice %arg17[%mul3A_468] : memref<1536xf32, #tpu.memory_space<vmem_shared>> -> memref<96xf32, #tpu.memory_space<vmem_shared>>
        %dma_wait3A_1256 = tpu.memref_slice %arg17[%mul3A_468] : memref<1536xf32, #tpu.memory_space<vmem_shared>> -> memref<96xf32, #tpu.memory_space<vmem_shared>>
        tpu.wait_dma2 semaphore(%run_scoped3A : memref<!tpu.dma_semaphore, #tpu.memory_space<semaphore_mem>>) src(%arg14 : memref<96xf32, #tpu.memory_space<vmem>>) dst(%dma_wait3A_1256 : memref<96xf32, #tpu.memory_space<vmem_shared>>)
        tpu.yield
      }) : () -> ()
      %barrier3A = arith.constant 0 : index
      tpu.barrier barrier_id(%barrier3A)
      "tpu.region"() ({
        %run_scoped3A = tpu.sem_alloc : memref<!tpu.dma_semaphore, #tpu.memory_space<semaphore_mem>>
        tpu.enqueue_dma source(%arg17 : memref<1536xf32, #tpu.memory_space<vmem_shared>>) target(%arg15 : memref<1536xf32, #tpu.memory_space<vmem>>) target_semaphore(%run_scoped3A : memref<!tpu.dma_semaphore, #tpu.memory_space<semaphore_mem>>)
        tpu.wait_dma2 semaphore(%run_scoped3A : memref<!tpu.dma_semaphore, #tpu.memory_space<semaphore_mem>>) src(%arg17 : memref<1536xf32, #tpu.memory_space<vmem_shared>>) dst(%arg15 : memref<1536xf32, #tpu.memory_space<vmem>>)
        tpu.yield
      }) : () -> ()
      %barrier3A_469 = arith.constant 0 : index
      tpu.barrier barrier_id(%barrier3A_469)
      %broadcast_in_dim3A_470 = arith.constant -1.000000e+09 : f32
      %broadcast_in_dim3A_471 = vector.broadcast %broadcast_in_dim3A_470 : f32 to vector<16xf32>
      %broadcast_in_dim3A_472 = arith.constant 1.000000e+09 : f32
      %broadcast_in_dim3A_473 = vector.broadcast %broadcast_in_dim3A_472 : f32 to vector<16xf32>
      %broadcast_in_dim3A_474 = arith.constant 3.000000e+38 : f32
      %broadcast_in_dim3A_475 = vector.broadcast %broadcast_in_dim3A_474 : f32 to vector<16xf32>
      %get3A = arith.constant 0 : index
      %get3A_476 = tpu.vector_load %arg15[%get3A] {strides = array<i32>} : memref<1536xf32, #tpu.memory_space<vmem>>, vector<16xf32>,
      %get3A_477 = vector.shape_cast %get3A_476 : vector<16xf32> to vector<16xf32>
      %max3A = arith.maximumf %broadcast_in_dim3A_471, %get3A_477 : vector<16xf32>
      %get3A_478 = arith.constant 16 : index
      %get3A_479 = tpu.vector_load %arg15[%get3A_478] {strides = array<i32>} : memref<1536xf32, #tpu.memory_space<vmem>>, vector<16xf32>,
      %get3A_480 = vector.shape_cast %get3A_479 : vector<16xf32> to vector<16xf32>
      %min3A = arith.minimumf %broadcast_in_dim3A_473, %get3A_480 : vector<16xf32>
      %get3A_481 = arith.constant 32 : index
      %get3A_482 = tpu.vector_load %arg15[%get3A_481] {strides = array<i32>} : memref<1536xf32, #tpu.memory_space<vmem>>, vector<16xf32>,
      %get3A_483 = vector.shape_cast %get3A_482 : vector<16xf32> to vector<16xf32>
      %min3A_484 = arith.minimumf %broadcast_in_dim3A_475, %get3A_483 : vector<16xf32>
      %get3A_485 = arith.constant 48 : index
      %get3A_486 = tpu.vector_load %arg15[%get3A_485] {strides = array<i32>} : memref<1536xf32, #tpu.memory_space<vmem>>, vector<16xf32>,
      %get3A_487 = vector.shape_cast %get3A_486 : vector<16xf32> to vector<16xf32>
      %min3A_488 = arith.minimumf %broadcast_in_dim3A_475, %get3A_487 : vector<16xf32>
      %get3A_489 = arith.constant 64 : index
      %get3A_490 = tpu.vector_load %arg15[%get3A_489] {strides = array<i32>} : memref<1536xf32, #tpu.memory_space<vmem>>, vector<16xf32>,
      %get3A_491 = vector.shape_cast %get3A_490 : vector<16xf32> to vector<16xf32>
      %min3A_492 = arith.minimumf %broadcast_in_dim3A_475, %get3A_491 : vector<16xf32>
      %get3A_493 = arith.constant 80 : index
      %get3A_494 = tpu.vector_load %arg15[%get3A_493] {strides = array<i32>} : memref<1536xf32, #tpu.memory_space<vmem>>, vector<16xf32>,
      %get3A_495 = vector.shape_cast %get3A_494 : vector<16xf32> to vector<16xf32>
      %min3A_496 = arith.minimumf %broadcast_in_dim3A_475, %get3A_495 : vector<16xf32>
      %get3A_497 = arith.constant 96 : index
      %get3A_498 = tpu.vector_load %arg15[%get3A_497] {strides = array<i32>} : memref<1536xf32, #tpu.memory_space<vmem>>, vector<16xf32>,
      %get3A_499 = vector.shape_cast %get3A_498 : vector<16xf32> to vector<16xf32>
      %max3A_500 = arith.maximumf %max3A, %get3A_499 : vector<16xf32>
      %get3A_501 = arith.constant 112 : index
      %get3A_502 = tpu.vector_load %arg15[%get3A_501] {strides = array<i32>} : memref<1536xf32, #tpu.memory_space<vmem>>, vector<16xf32>,
      %get3A_503 = vector.shape_cast %get3A_502 : vector<16xf32> to vector<16xf32>
      %min3A_504 = arith.minimumf %min3A, %get3A_503 : vector<16xf32>
      %get3A_505 = arith.constant 128 : index
      %get3A_506 = tpu.vector_load %arg15[%get3A_505] {strides = array<i32>} : memref<1536xf32, #tpu.memory_space<vmem>>, vector<16xf32>,
      %get3A_507 = vector.shape_cast %get3A_506 : vector<16xf32> to vector<16xf32>
      %min3A_508 = arith.minimumf %min3A_484, %get3A_507 : vector<16xf32>
      %get3A_509 = arith.constant 144 : index
      %get3A_510 = tpu.vector_load %arg15[%get3A_509] {strides = array<i32>} : memref<1536xf32, #tpu.memory_space<vmem>>, vector<16xf32>,
      %get3A_511 = vector.shape_cast %get3A_510 : vector<16xf32> to vector<16xf32>
      %min3A_512 = arith.minimumf %min3A_488, %get3A_511 : vector<16xf32>
      %get3A_513 = arith.constant 160 : index
      %get3A_514 = tpu.vector_load %arg15[%get3A_513] {strides = array<i32>} : memref<1536xf32, #tpu.memory_space<vmem>>, vector<16xf32>,
      %get3A_515 = vector.shape_cast %get3A_514 : vector<16xf32> to vector<16xf32>
      %min3A_516 = arith.minimumf %min3A_492, %get3A_515 : vector<16xf32>
      %get3A_517 = arith.constant 176 : index
      %get3A_518 = tpu.vector_load %arg15[%get3A_517] {strides = array<i32>} : memref<1536xf32, #tpu.memory_space<vmem>>, vector<16xf32>,
      %get3A_519 = vector.shape_cast %get3A_518 : vector<16xf32> to vector<16xf32>
      %min3A_520 = arith.minimumf %min3A_496, %get3A_519 : vector<16xf32>
      %get3A_521 = arith.constant 192 : index
      %get3A_522 = tpu.vector_load %arg15[%get3A_521] {strides = array<i32>} : memref<1536xf32, #tpu.memory_space<vmem>>, vector<16xf32>,
      %get3A_523 = vector.shape_cast %get3A_522 : vector<16xf32> to vector<16xf32>
      %max3A_524 = arith.maximumf %max3A_500, %get3A_523 : vector<16xf32>
      %get3A_525 = arith.constant 208 : index
      %get3A_526 = tpu.vector_load %arg15[%get3A_525] {strides = array<i32>} : memref<1536xf32, #tpu.memory_space<vmem>>, vector<16xf32>,
      %get3A_527 = vector.shape_cast %get3A_526 : vector<16xf32> to vector<16xf32>
      %min3A_528 = arith.minimumf %min3A_504, %get3A_527 : vector<16xf32>
      %get3A_529 = arith.constant 224 : index
      %get3A_530 = tpu.vector_load %arg15[%get3A_529] {strides = array<i32>} : memref<1536xf32, #tpu.memory_space<vmem>>, vector<16xf32>,
      %get3A_531 = vector.shape_cast %get3A_530 : vector<16xf32> to vector<16xf32>
      %min3A_532 = arith.minimumf %min3A_508, %get3A_531 : vector<16xf32>
      %get3A_533 = arith.constant 240 : index
      %get3A_534 = tpu.vector_load %arg15[%get3A_533] {strides = array<i32>} : memref<1536xf32, #tpu.memory_space<vmem>>, vector<16xf32>,
      %get3A_535 = vector.shape_cast %get3A_534 : vector<16xf32> to vector<16xf32>
      %min3A_536 = arith.minimumf %min3A_512, %get3A_535 : vector<16xf32>
      %get3A_537 = arith.constant 256 : index
      %get3A_538 = tpu.vector_load %arg15[%get3A_537] {strides = array<i32>} : memref<1536xf32, #tpu.memory_space<vmem>>, vector<16xf32>,
      %get3A_539 = vector.shape_cast %get3A_538 : vector<16xf32> to vector<16xf32>
      %min3A_540 = arith.minimumf %min3A_516, %get3A_539 : vector<16xf32>
      %get3A_541 = arith.constant 272 : index
      %get3A_542 = tpu.vector_load %arg15[%get3A_541] {strides = array<i32>} : memref<1536xf32, #tpu.memory_space<vmem>>, vector<16xf32>,
      %get3A_543 = vector.shape_cast %get3A_542 : vector<16xf32> to vector<16xf32>
      %min3A_544 = arith.minimumf %min3A_520, %get3A_543 : vector<16xf32>
      %get3A_545 = arith.constant 288 : index
      %get3A_546 = tpu.vector_load %arg15[%get3A_545] {strides = array<i32>} : memref<1536xf32, #tpu.memory_space<vmem>>, vector<16xf32>,
      %get3A_547 = vector.shape_cast %get3A_546 : vector<16xf32> to vector<16xf32>
      %max3A_548 = arith.maximumf %max3A_524, %get3A_547 : vector<16xf32>
      %get3A_549 = arith.constant 304 : index
      %get3A_550 = tpu.vector_load %arg15[%get3A_549] {strides = array<i32>} : memref<1536xf32, #tpu.memory_space<vmem>>, vector<16xf32>,
      %get3A_551 = vector.shape_cast %get3A_550 : vector<16xf32> to vector<16xf32>
      %min3A_552 = arith.minimumf %min3A_528, %get3A_551 : vector<16xf32>
      %get3A_553 = arith.constant 320 : index
      %get3A_554 = tpu.vector_load %arg15[%get3A_553] {strides = array<i32>} : memref<1536xf32, #tpu.memory_space<vmem>>, vector<16xf32>,
      %get3A_555 = vector.shape_cast %get3A_554 : vector<16xf32> to vector<16xf32>
      %min3A_556 = arith.minimumf %min3A_532, %get3A_555 : vector<16xf32>
      %get3A_557 = arith.constant 336 : index
      %get3A_558 = tpu.vector_load %arg15[%get3A_557] {strides = array<i32>} : memref<1536xf32, #tpu.memory_space<vmem>>, vector<16xf32>,
      %get3A_559 = vector.shape_cast %get3A_558 : vector<16xf32> to vector<16xf32>
      %min3A_560 = arith.minimumf %min3A_536, %get3A_559 : vector<16xf32>
      %get3A_561 = arith.constant 352 : index
      %get3A_562 = tpu.vector_load %arg15[%get3A_561] {strides = array<i32>} : memref<1536xf32, #tpu.memory_space<vmem>>, vector<16xf32>,
      %get3A_563 = vector.shape_cast %get3A_562 : vector<16xf32> to vector<16xf32>
      %min3A_564 = arith.minimumf %min3A_540, %get3A_563 : vector<16xf32>
      %get3A_565 = arith.constant 368 : index
      %get3A_566 = tpu.vector_load %arg15[%get3A_565] {strides = array<i32>} : memref<1536xf32, #tpu.memory_space<vmem>>, vector<16xf32>,
      %get3A_567 = vector.shape_cast %get3A_566 : vector<16xf32> to vector<16xf32>
      %min3A_568 = arith.minimumf %min3A_544, %get3A_567 : vector<16xf32>
      %get3A_569 = arith.constant 384 : index
      %get3A_570 = tpu.vector_load %arg15[%get3A_569] {strides = array<i32>} : memref<1536xf32, #tpu.memory_space<vmem>>, vector<16xf32>,
      %get3A_571 = vector.shape_cast %get3A_570 : vector<16xf32> to vector<16xf32>
      %max3A_572 = arith.maximumf %max3A_548, %get3A_571 : vector<16xf32>
      %get3A_573 = arith.constant 400 : index
      %get3A_574 = tpu.vector_load %arg15[%get3A_573] {strides = array<i32>} : memref<1536xf32, #tpu.memory_space<vmem>>, vector<16xf32>,
      %get3A_575 = vector.shape_cast %get3A_574 : vector<16xf32> to vector<16xf32>
      %min3A_576 = arith.minimumf %min3A_552, %get3A_575 : vector<16xf32>
      %get3A_577 = arith.constant 416 : index
      %get3A_578 = tpu.vector_load %arg15[%get3A_577] {strides = array<i32>} : memref<1536xf32, #tpu.memory_space<vmem>>, vector<16xf32>,
      %get3A_579 = vector.shape_cast %get3A_578 : vector<16xf32> to vector<16xf32>
      %min3A_580 = arith.minimumf %min3A_556, %get3A_579 : vector<16xf32>
      %get3A_581 = arith.constant 432 : index
      %get3A_582 = tpu.vector_load %arg15[%get3A_581] {strides = array<i32>} : memref<1536xf32, #tpu.memory_space<vmem>>, vector<16xf32>,
      %get3A_583 = vector.shape_cast %get3A_582 : vector<16xf32> to vector<16xf32>
      %min3A_584 = arith.minimumf %min3A_560, %get3A_583 : vector<16xf32>
      %get3A_585 = arith.constant 448 : index
      %get3A_586 = tpu.vector_load %arg15[%get3A_585] {strides = array<i32>} : memref<1536xf32, #tpu.memory_space<vmem>>, vector<16xf32>,
      %get3A_587 = vector.shape_cast %get3A_586 : vector<16xf32> to vector<16xf32>
      %min3A_588 = arith.minimumf %min3A_564, %get3A_587 : vector<16xf32>
      %get3A_589 = arith.constant 464 : index
      %get3A_590 = tpu.vector_load %arg15[%get3A_589] {strides = array<i32>} : memref<1536xf32, #tpu.memory_space<vmem>>, vector<16xf32>,
      %get3A_591 = vector.shape_cast %get3A_590 : vector<16xf32> to vector<16xf32>
      %min3A_592 = arith.minimumf %min3A_568, %get3A_591 : vector<16xf32>
      %get3A_593 = arith.constant 480 : index
      %get3A_594 = tpu.vector_load %arg15[%get3A_593] {strides = array<i32>} : memref<1536xf32, #tpu.memory_space<vmem>>, vector<16xf32>,
      %get3A_595 = vector.shape_cast %get3A_594 : vector<16xf32> to vector<16xf32>
      %max3A_596 = arith.maximumf %max3A_572, %get3A_595 : vector<16xf32>
      %get3A_597 = arith.constant 496 : index
      %get3A_598 = tpu.vector_load %arg15[%get3A_597] {strides = array<i32>} : memref<1536xf32, #tpu.memory_space<vmem>>, vector<16xf32>,
      %get3A_599 = vector.shape_cast %get3A_598 : vector<16xf32> to vector<16xf32>
      %min3A_600 = arith.minimumf %min3A_576, %get3A_599 : vector<16xf32>
      %get3A_601 = arith.constant 512 : index
      %get3A_602 = tpu.vector_load %arg15[%get3A_601] {strides = array<i32>} : memref<1536xf32, #tpu.memory_space<vmem>>, vector<16xf32>,
      %get3A_603 = vector.shape_cast %get3A_602 : vector<16xf32> to vector<16xf32>
      %min3A_604 = arith.minimumf %min3A_580, %get3A_603 : vector<16xf32>
      %get3A_605 = arith.constant 528 : index
      %get3A_606 = tpu.vector_load %arg15[%get3A_605] {strides = array<i32>} : memref<1536xf32, #tpu.memory_space<vmem>>, vector<16xf32>,
      %get3A_607 = vector.shape_cast %get3A_606 : vector<16xf32> to vector<16xf32>
      %min3A_608 = arith.minimumf %min3A_584, %get3A_607 : vector<16xf32>
      %get3A_609 = arith.constant 544 : index
      %get3A_610 = tpu.vector_load %arg15[%get3A_609] {strides = array<i32>} : memref<1536xf32, #tpu.memory_space<vmem>>, vector<16xf32>,
      %get3A_611 = vector.shape_cast %get3A_610 : vector<16xf32> to vector<16xf32>
      %min3A_612 = arith.minimumf %min3A_588, %get3A_611 : vector<16xf32>
      %get3A_613 = arith.constant 560 : index
      %get3A_614 = tpu.vector_load %arg15[%get3A_613] {strides = array<i32>} : memref<1536xf32, #tpu.memory_space<vmem>>, vector<16xf32>,
      %get3A_615 = vector.shape_cast %get3A_614 : vector<16xf32> to vector<16xf32>
      %min3A_616 = arith.minimumf %min3A_592, %get3A_615 : vector<16xf32>
      %get3A_617 = arith.constant 576 : index
      %get3A_618 = tpu.vector_load %arg15[%get3A_617] {strides = array<i32>} : memref<1536xf32, #tpu.memory_space<vmem>>, vector<16xf32>,
      %get3A_619 = vector.shape_cast %get3A_618 : vector<16xf32> to vector<16xf32>
      %max3A_620 = arith.maximumf %max3A_596, %get3A_619 : vector<16xf32>
      %get3A_621 = arith.constant 592 : index
      %get3A_622 = tpu.vector_load %arg15[%get3A_621] {strides = array<i32>} : memref<1536xf32, #tpu.memory_space<vmem>>, vector<16xf32>,
      %get3A_623 = vector.shape_cast %get3A_622 : vector<16xf32> to vector<16xf32>
      %min3A_624 = arith.minimumf %min3A_600, %get3A_623 : vector<16xf32>
      %get3A_625 = arith.constant 608 : index
      %get3A_626 = tpu.vector_load %arg15[%get3A_625] {strides = array<i32>} : memref<1536xf32, #tpu.memory_space<vmem>>, vector<16xf32>,
      %get3A_627 = vector.shape_cast %get3A_626 : vector<16xf32> to vector<16xf32>
      %min3A_628 = arith.minimumf %min3A_604, %get3A_627 : vector<16xf32>
      %get3A_629 = arith.constant 624 : index
      %get3A_630 = tpu.vector_load %arg15[%get3A_629] {strides = array<i32>} : memref<1536xf32, #tpu.memory_space<vmem>>, vector<16xf32>,
      %get3A_631 = vector.shape_cast %get3A_630 : vector<16xf32> to vector<16xf32>
      %min3A_632 = arith.minimumf %min3A_608, %get3A_631 : vector<16xf32>
      %get3A_633 = arith.constant 640 : index
      %get3A_634 = tpu.vector_load %arg15[%get3A_633] {strides = array<i32>} : memref<1536xf32, #tpu.memory_space<vmem>>, vector<16xf32>,
      %get3A_635 = vector.shape_cast %get3A_634 : vector<16xf32> to vector<16xf32>
      %min3A_636 = arith.minimumf %min3A_612, %get3A_635 : vector<16xf32>
      %get3A_637 = arith.constant 656 : index
      %get3A_638 = tpu.vector_load %arg15[%get3A_637] {strides = array<i32>} : memref<1536xf32, #tpu.memory_space<vmem>>, vector<16xf32>,
      %get3A_639 = vector.shape_cast %get3A_638 : vector<16xf32> to vector<16xf32>
      %min3A_640 = arith.minimumf %min3A_616, %get3A_639 : vector<16xf32>
      %get3A_641 = arith.constant 672 : index
      %get3A_642 = tpu.vector_load %arg15[%get3A_641] {strides = array<i32>} : memref<1536xf32, #tpu.memory_space<vmem>>, vector<16xf32>,
      %get3A_643 = vector.shape_cast %get3A_642 : vector<16xf32> to vector<16xf32>
      %max3A_644 = arith.maximumf %max3A_620, %get3A_643 : vector<16xf32>
      %get3A_645 = arith.constant 688 : index
      %get3A_646 = tpu.vector_load %arg15[%get3A_645] {strides = array<i32>} : memref<1536xf32, #tpu.memory_space<vmem>>, vector<16xf32>,
      %get3A_647 = vector.shape_cast %get3A_646 : vector<16xf32> to vector<16xf32>
      %min3A_648 = arith.minimumf %min3A_624, %get3A_647 : vector<16xf32>
      %get3A_649 = arith.constant 704 : index
      %get3A_650 = tpu.vector_load %arg15[%get3A_649] {strides = array<i32>} : memref<1536xf32, #tpu.memory_space<vmem>>, vector<16xf32>,
      %get3A_651 = vector.shape_cast %get3A_650 : vector<16xf32> to vector<16xf32>
      %min3A_652 = arith.minimumf %min3A_628, %get3A_651 : vector<16xf32>
      %get3A_653 = arith.constant 720 : index
      %get3A_654 = tpu.vector_load %arg15[%get3A_653] {strides = array<i32>} : memref<1536xf32, #tpu.memory_space<vmem>>, vector<16xf32>,
      %get3A_655 = vector.shape_cast %get3A_654 : vector<16xf32> to vector<16xf32>
      %min3A_656 = arith.minimumf %min3A_632, %get3A_655 : vector<16xf32>
      %get3A_657 = arith.constant 736 : index
      %get3A_658 = tpu.vector_load %arg15[%get3A_657] {strides = array<i32>} : memref<1536xf32, #tpu.memory_space<vmem>>, vector<16xf32>,
      %get3A_659 = vector.shape_cast %get3A_658 : vector<16xf32> to vector<16xf32>
      %min3A_660 = arith.minimumf %min3A_636, %get3A_659 : vector<16xf32>
      %get3A_661 = arith.constant 752 : index
      %get3A_662 = tpu.vector_load %arg15[%get3A_661] {strides = array<i32>} : memref<1536xf32, #tpu.memory_space<vmem>>, vector<16xf32>,
      %get3A_663 = vector.shape_cast %get3A_662 : vector<16xf32> to vector<16xf32>
      %min3A_664 = arith.minimumf %min3A_640, %get3A_663 : vector<16xf32>
      %get3A_665 = arith.constant 768 : index
      %get3A_666 = tpu.vector_load %arg15[%get3A_665] {strides = array<i32>} : memref<1536xf32, #tpu.memory_space<vmem>>, vector<16xf32>,
      %get3A_667 = vector.shape_cast %get3A_666 : vector<16xf32> to vector<16xf32>
      %max3A_668 = arith.maximumf %max3A_644, %get3A_667 : vector<16xf32>
      %get3A_669 = arith.constant 784 : index
      %get3A_670 = tpu.vector_load %arg15[%get3A_669] {strides = array<i32>} : memref<1536xf32, #tpu.memory_space<vmem>>, vector<16xf32>,
      %get3A_671 = vector.shape_cast %get3A_670 : vector<16xf32> to vector<16xf32>
      %min3A_672 = arith.minimumf %min3A_648, %get3A_671 : vector<16xf32>
      %get3A_673 = arith.constant 800 : index
      %get3A_674 = tpu.vector_load %arg15[%get3A_673] {strides = array<i32>} : memref<1536xf32, #tpu.memory_space<vmem>>, vector<16xf32>,
      %get3A_675 = vector.shape_cast %get3A_674 : vector<16xf32> to vector<16xf32>
      %min3A_676 = arith.minimumf %min3A_652, %get3A_675 : vector<16xf32>
      %get3A_677 = arith.constant 816 : index
      %get3A_678 = tpu.vector_load %arg15[%get3A_677] {strides = array<i32>} : memref<1536xf32, #tpu.memory_space<vmem>>, vector<16xf32>,
      %get3A_679 = vector.shape_cast %get3A_678 : vector<16xf32> to vector<16xf32>
      %min3A_680 = arith.minimumf %min3A_656, %get3A_679 : vector<16xf32>
      %get3A_681 = arith.constant 832 : index
      %get3A_682 = tpu.vector_load %arg15[%get3A_681] {strides = array<i32>} : memref<1536xf32, #tpu.memory_space<vmem>>, vector<16xf32>,
      %get3A_683 = vector.shape_cast %get3A_682 : vector<16xf32> to vector<16xf32>
      %min3A_684 = arith.minimumf %min3A_660, %get3A_683 : vector<16xf32>
      %get3A_685 = arith.constant 848 : index
      %get3A_686 = tpu.vector_load %arg15[%get3A_685] {strides = array<i32>} : memref<1536xf32, #tpu.memory_space<vmem>>, vector<16xf32>,
      %get3A_687 = vector.shape_cast %get3A_686 : vector<16xf32> to vector<16xf32>
      %min3A_688 = arith.minimumf %min3A_664, %get3A_687 : vector<16xf32>
      %get3A_689 = arith.constant 864 : index
      %get3A_690 = tpu.vector_load %arg15[%get3A_689] {strides = array<i32>} : memref<1536xf32, #tpu.memory_space<vmem>>, vector<16xf32>,
      %get3A_691 = vector.shape_cast %get3A_690 : vector<16xf32> to vector<16xf32>
      %max3A_692 = arith.maximumf %max3A_668, %get3A_691 : vector<16xf32>
      %get3A_693 = arith.constant 880 : index
      %get3A_694 = tpu.vector_load %arg15[%get3A_693] {strides = array<i32>} : memref<1536xf32, #tpu.memory_space<vmem>>, vector<16xf32>,
      %get3A_695 = vector.shape_cast %get3A_694 : vector<16xf32> to vector<16xf32>
      %min3A_696 = arith.minimumf %min3A_672, %get3A_695 : vector<16xf32>
      %get3A_697 = arith.constant 896 : index
      %get3A_698 = tpu.vector_load %arg15[%get3A_697] {strides = array<i32>} : memref<1536xf32, #tpu.memory_space<vmem>>, vector<16xf32>,
      %get3A_699 = vector.shape_cast %get3A_698 : vector<16xf32> to vector<16xf32>
      %min3A_700 = arith.minimumf %min3A_676, %get3A_699 : vector<16xf32>
      %get3A_701 = arith.constant 912 : index
      %get3A_702 = tpu.vector_load %arg15[%get3A_701] {strides = array<i32>} : memref<1536xf32, #tpu.memory_space<vmem>>, vector<16xf32>,
      %get3A_703 = vector.shape_cast %get3A_702 : vector<16xf32> to vector<16xf32>
      %min3A_704 = arith.minimumf %min3A_680, %get3A_703 : vector<16xf32>
      %get3A_705 = arith.constant 928 : index
      %get3A_706 = tpu.vector_load %arg15[%get3A_705] {strides = array<i32>} : memref<1536xf32, #tpu.memory_space<vmem>>, vector<16xf32>,
      %get3A_707 = vector.shape_cast %get3A_706 : vector<16xf32> to vector<16xf32>
      %min3A_708 = arith.minimumf %min3A_684, %get3A_707 : vector<16xf32>
      %get3A_709 = arith.constant 944 : index
      %get3A_710 = tpu.vector_load %arg15[%get3A_709] {strides = array<i32>} : memref<1536xf32, #tpu.memory_space<vmem>>, vector<16xf32>,
      %get3A_711 = vector.shape_cast %get3A_710 : vector<16xf32> to vector<16xf32>
      %min3A_712 = arith.minimumf %min3A_688, %get3A_711 : vector<16xf32>
      %get3A_713 = arith.constant 960 : index
      %get3A_714 = tpu.vector_load %arg15[%get3A_713] {strides = array<i32>} : memref<1536xf32, #tpu.memory_space<vmem>>, vector<16xf32>,
      %get3A_715 = vector.shape_cast %get3A_714 : vector<16xf32> to vector<16xf32>
      %max3A_716 = arith.maximumf %max3A_692, %get3A_715 : vector<16xf32>
      %get3A_717 = arith.constant 976 : index
      %get3A_718 = tpu.vector_load %arg15[%get3A_717] {strides = array<i32>} : memref<1536xf32, #tpu.memory_space<vmem>>, vector<16xf32>,
      %get3A_719 = vector.shape_cast %get3A_718 : vector<16xf32> to vector<16xf32>
      %min3A_720 = arith.minimumf %min3A_696, %get3A_719 : vector<16xf32>
      %get3A_721 = arith.constant 992 : index
      %get3A_722 = tpu.vector_load %arg15[%get3A_721] {strides = array<i32>} : memref<1536xf32, #tpu.memory_space<vmem>>, vector<16xf32>,
      %get3A_723 = vector.shape_cast %get3A_722 : vector<16xf32> to vector<16xf32>
      %min3A_724 = arith.minimumf %min3A_700, %get3A_723 : vector<16xf32>
      %get3A_725 = arith.constant 1008 : index
      %get3A_726 = tpu.vector_load %arg15[%get3A_725] {strides = array<i32>} : memref<1536xf32, #tpu.memory_space<vmem>>, vector<16xf32>,
      %get3A_727 = vector.shape_cast %get3A_726 : vector<16xf32> to vector<16xf32>
      %min3A_728 = arith.minimumf %min3A_704, %get3A_727 : vector<16xf32>
      %get3A_729 = arith.constant 1024 : index
      %get3A_730 = tpu.vector_load %arg15[%get3A_729] {strides = array<i32>} : memref<1536xf32, #tpu.memory_space<vmem>>, vector<16xf32>,
      %get3A_731 = vector.shape_cast %get3A_730 : vector<16xf32> to vector<16xf32>
      %min3A_732 = arith.minimumf %min3A_708, %get3A_731 : vector<16xf32>
      %get3A_733 = arith.constant 1040 : index
      %get3A_734 = tpu.vector_load %arg15[%get3A_733] {strides = array<i32>} : memref<1536xf32, #tpu.memory_space<vmem>>, vector<16xf32>,
      %get3A_735 = vector.shape_cast %get3A_734 : vector<16xf32> to vector<16xf32>
      %min3A_736 = arith.minimumf %min3A_712, %get3A_735 : vector<16xf32>
      %get3A_737 = arith.constant 1056 : index
      %get3A_738 = tpu.vector_load %arg15[%get3A_737] {strides = array<i32>} : memref<1536xf32, #tpu.memory_space<vmem>>, vector<16xf32>,
      %get3A_739 = vector.shape_cast %get3A_738 : vector<16xf32> to vector<16xf32>
      %max3A_740 = arith.maximumf %max3A_716, %get3A_739 : vector<16xf32>
      %get3A_741 = arith.constant 1072 : index
      %get3A_742 = tpu.vector_load %arg15[%get3A_741] {strides = array<i32>} : memref<1536xf32, #tpu.memory_space<vmem>>, vector<16xf32>,
      %get3A_743 = vector.shape_cast %get3A_742 : vector<16xf32> to vector<16xf32>
      %min3A_744 = arith.minimumf %min3A_720, %get3A_743 : vector<16xf32>
      %get3A_745 = arith.constant 1088 : index
      %get3A_746 = tpu.vector_load %arg15[%get3A_745] {strides = array<i32>} : memref<1536xf32, #tpu.memory_space<vmem>>, vector<16xf32>,
      %get3A_747 = vector.shape_cast %get3A_746 : vector<16xf32> to vector<16xf32>
      %min3A_748 = arith.minimumf %min3A_724, %get3A_747 : vector<16xf32>
      %get3A_749 = arith.constant 1104 : index
      %get3A_750 = tpu.vector_load %arg15[%get3A_749] {strides = array<i32>} : memref<1536xf32, #tpu.memory_space<vmem>>, vector<16xf32>,
      %get3A_751 = vector.shape_cast %get3A_750 : vector<16xf32> to vector<16xf32>
      %min3A_752 = arith.minimumf %min3A_728, %get3A_751 : vector<16xf32>
      %get3A_753 = arith.constant 1120 : index
      %get3A_754 = tpu.vector_load %arg15[%get3A_753] {strides = array<i32>} : memref<1536xf32, #tpu.memory_space<vmem>>, vector<16xf32>,
      %get3A_755 = vector.shape_cast %get3A_754 : vector<16xf32> to vector<16xf32>
      %min3A_756 = arith.minimumf %min3A_732, %get3A_755 : vector<16xf32>
      %get3A_757 = arith.constant 1136 : index
      %get3A_758 = tpu.vector_load %arg15[%get3A_757] {strides = array<i32>} : memref<1536xf32, #tpu.memory_space<vmem>>, vector<16xf32>,
      %get3A_759 = vector.shape_cast %get3A_758 : vector<16xf32> to vector<16xf32>
      %min3A_760 = arith.minimumf %min3A_736, %get3A_759 : vector<16xf32>
      %get3A_761 = arith.constant 1152 : index
      %get3A_762 = tpu.vector_load %arg15[%get3A_761] {strides = array<i32>} : memref<1536xf32, #tpu.memory_space<vmem>>, vector<16xf32>,
      %get3A_763 = vector.shape_cast %get3A_762 : vector<16xf32> to vector<16xf32>
      %max3A_764 = arith.maximumf %max3A_740, %get3A_763 : vector<16xf32>
      %get3A_765 = arith.constant 1168 : index
      %get3A_766 = tpu.vector_load %arg15[%get3A_765] {strides = array<i32>} : memref<1536xf32, #tpu.memory_space<vmem>>, vector<16xf32>,
      %get3A_767 = vector.shape_cast %get3A_766 : vector<16xf32> to vector<16xf32>
      %min3A_768 = arith.minimumf %min3A_744, %get3A_767 : vector<16xf32>
      %get3A_769 = arith.constant 1184 : index
      %get3A_770 = tpu.vector_load %arg15[%get3A_769] {strides = array<i32>} : memref<1536xf32, #tpu.memory_space<vmem>>, vector<16xf32>,
      %get3A_771 = vector.shape_cast %get3A_770 : vector<16xf32> to vector<16xf32>
      %min3A_772 = arith.minimumf %min3A_748, %get3A_771 : vector<16xf32>
      %get3A_773 = arith.constant 1200 : index
      %get3A_774 = tpu.vector_load %arg15[%get3A_773] {strides = array<i32>} : memref<1536xf32, #tpu.memory_space<vmem>>, vector<16xf32>,
      %get3A_775 = vector.shape_cast %get3A_774 : vector<16xf32> to vector<16xf32>
      %min3A_776 = arith.minimumf %min3A_752, %get3A_775 : vector<16xf32>
      %get3A_777 = arith.constant 1216 : index
      %get3A_778 = tpu.vector_load %arg15[%get3A_777] {strides = array<i32>} : memref<1536xf32, #tpu.memory_space<vmem>>, vector<16xf32>,
      %get3A_779 = vector.shape_cast %get3A_778 : vector<16xf32> to vector<16xf32>
      %min3A_780 = arith.minimumf %min3A_756, %get3A_779 : vector<16xf32>
      %get3A_781 = arith.constant 1232 : index
      %get3A_782 = tpu.vector_load %arg15[%get3A_781] {strides = array<i32>} : memref<1536xf32, #tpu.memory_space<vmem>>, vector<16xf32>,
      %get3A_783 = vector.shape_cast %get3A_782 : vector<16xf32> to vector<16xf32>
      %min3A_784 = arith.minimumf %min3A_760, %get3A_783 : vector<16xf32>
      %get3A_785 = arith.constant 1248 : index
      %get3A_786 = tpu.vector_load %arg15[%get3A_785] {strides = array<i32>} : memref<1536xf32, #tpu.memory_space<vmem>>, vector<16xf32>,
      %get3A_787 = vector.shape_cast %get3A_786 : vector<16xf32> to vector<16xf32>
      %max3A_788 = arith.maximumf %max3A_764, %get3A_787 : vector<16xf32>
      %get3A_789 = arith.constant 1264 : index
      %get3A_790 = tpu.vector_load %arg15[%get3A_789] {strides = array<i32>} : memref<1536xf32, #tpu.memory_space<vmem>>, vector<16xf32>,
      %get3A_791 = vector.shape_cast %get3A_790 : vector<16xf32> to vector<16xf32>
      %min3A_792 = arith.minimumf %min3A_768, %get3A_791 : vector<16xf32>
      %get3A_793 = arith.constant 1280 : index
      %get3A_794 = tpu.vector_load %arg15[%get3A_793] {strides = array<i32>} : memref<1536xf32, #tpu.memory_space<vmem>>, vector<16xf32>,
      %get3A_795 = vector.shape_cast %get3A_794 : vector<16xf32> to vector<16xf32>
      %min3A_796 = arith.minimumf %min3A_772, %get3A_795 : vector<16xf32>
      %get3A_797 = arith.constant 1296 : index
      %get3A_798 = tpu.vector_load %arg15[%get3A_797] {strides = array<i32>} : memref<1536xf32, #tpu.memory_space<vmem>>, vector<16xf32>,
      %get3A_799 = vector.shape_cast %get3A_798 : vector<16xf32> to vector<16xf32>
      %min3A_800 = arith.minimumf %min3A_776, %get3A_799 : vector<16xf32>
      %get3A_801 = arith.constant 1312 : index
      %get3A_802 = tpu.vector_load %arg15[%get3A_801] {strides = array<i32>} : memref<1536xf32, #tpu.memory_space<vmem>>, vector<16xf32>,
      %get3A_803 = vector.shape_cast %get3A_802 : vector<16xf32> to vector<16xf32>
      %min3A_804 = arith.minimumf %min3A_780, %get3A_803 : vector<16xf32>
      %get3A_805 = arith.constant 1328 : index
      %get3A_806 = tpu.vector_load %arg15[%get3A_805] {strides = array<i32>} : memref<1536xf32, #tpu.memory_space<vmem>>, vector<16xf32>,
      %get3A_807 = vector.shape_cast %get3A_806 : vector<16xf32> to vector<16xf32>
      %min3A_808 = arith.minimumf %min3A_784, %get3A_807 : vector<16xf32>
      %get3A_809 = arith.constant 1344 : index
      %get3A_810 = tpu.vector_load %arg15[%get3A_809] {strides = array<i32>} : memref<1536xf32, #tpu.memory_space<vmem>>, vector<16xf32>,
      %get3A_811 = vector.shape_cast %get3A_810 : vector<16xf32> to vector<16xf32>
      %max3A_812 = arith.maximumf %max3A_788, %get3A_811 : vector<16xf32>
      %get3A_813 = arith.constant 1360 : index
      %get3A_814 = tpu.vector_load %arg15[%get3A_813] {strides = array<i32>} : memref<1536xf32, #tpu.memory_space<vmem>>, vector<16xf32>,
      %get3A_815 = vector.shape_cast %get3A_814 : vector<16xf32> to vector<16xf32>
      %min3A_816 = arith.minimumf %min3A_792, %get3A_815 : vector<16xf32>
      %get3A_817 = arith.constant 1376 : index
      %get3A_818 = tpu.vector_load %arg15[%get3A_817] {strides = array<i32>} : memref<1536xf32, #tpu.memory_space<vmem>>, vector<16xf32>,
      %get3A_819 = vector.shape_cast %get3A_818 : vector<16xf32> to vector<16xf32>
      %min3A_820 = arith.minimumf %min3A_796, %get3A_819 : vector<16xf32>
      %get3A_821 = arith.constant 1392 : index
      %get3A_822 = tpu.vector_load %arg15[%get3A_821] {strides = array<i32>} : memref<1536xf32, #tpu.memory_space<vmem>>, vector<16xf32>,
      %get3A_823 = vector.shape_cast %get3A_822 : vector<16xf32> to vector<16xf32>
      %min3A_824 = arith.minimumf %min3A_800, %get3A_823 : vector<16xf32>
      %get3A_825 = arith.constant 1408 : index
      %get3A_826 = tpu.vector_load %arg15[%get3A_825] {strides = array<i32>} : memref<1536xf32, #tpu.memory_space<vmem>>, vector<16xf32>,
      %get3A_827 = vector.shape_cast %get3A_826 : vector<16xf32> to vector<16xf32>
      %min3A_828 = arith.minimumf %min3A_804, %get3A_827 : vector<16xf32>
      %get3A_829 = arith.constant 1424 : index
      %get3A_830 = tpu.vector_load %arg15[%get3A_829] {strides = array<i32>} : memref<1536xf32, #tpu.memory_space<vmem>>, vector<16xf32>,
      %get3A_831 = vector.shape_cast %get3A_830 : vector<16xf32> to vector<16xf32>
      %min3A_832 = arith.minimumf %min3A_808, %get3A_831 : vector<16xf32>
      %get3A_833 = arith.constant 1440 : index
      %get3A_834 = tpu.vector_load %arg15[%get3A_833] {strides = array<i32>} : memref<1536xf32, #tpu.memory_space<vmem>>, vector<16xf32>,
      %get3A_835 = vector.shape_cast %get3A_834 : vector<16xf32> to vector<16xf32>
      %max3A_836 = arith.maximumf %max3A_812, %get3A_835 : vector<16xf32>
      %get3A_837 = arith.constant 1456 : index
      %get3A_838 = tpu.vector_load %arg15[%get3A_837] {strides = array<i32>} : memref<1536xf32, #tpu.memory_space<vmem>>, vector<16xf32>,
      %get3A_839 = vector.shape_cast %get3A_838 : vector<16xf32> to vector<16xf32>
      %min3A_840 = arith.minimumf %min3A_816, %get3A_839 : vector<16xf32>
      %get3A_841 = arith.constant 1472 : index
      %get3A_842 = tpu.vector_load %arg15[%get3A_841] {strides = array<i32>} : memref<1536xf32, #tpu.memory_space<vmem>>, vector<16xf32>,
      %get3A_843 = vector.shape_cast %get3A_842 : vector<16xf32> to vector<16xf32>
      %min3A_844 = arith.minimumf %min3A_820, %get3A_843 : vector<16xf32>
      %get3A_845 = arith.constant 1488 : index
      %get3A_846 = tpu.vector_load %arg15[%get3A_845] {strides = array<i32>} : memref<1536xf32, #tpu.memory_space<vmem>>, vector<16xf32>,
      %get3A_847 = vector.shape_cast %get3A_846 : vector<16xf32> to vector<16xf32>
      %min3A_848 = arith.minimumf %min3A_824, %get3A_847 : vector<16xf32>
      %get3A_849 = arith.constant 1504 : index
      %get3A_850 = tpu.vector_load %arg15[%get3A_849] {strides = array<i32>} : memref<1536xf32, #tpu.memory_space<vmem>>, vector<16xf32>,
      %get3A_851 = vector.shape_cast %get3A_850 : vector<16xf32> to vector<16xf32>
      %min3A_852 = arith.minimumf %min3A_828, %get3A_851 : vector<16xf32>
      %get3A_853 = arith.constant 1520 : index
      %get3A_854 = tpu.vector_load %arg15[%get3A_853] {strides = array<i32>} : memref<1536xf32, #tpu.memory_space<vmem>>, vector<16xf32>,
      %get3A_855 = vector.shape_cast %get3A_854 : vector<16xf32> to vector<16xf32>
      %min3A_856 = arith.minimumf %min3A_832, %get3A_855 : vector<16xf32>
      %xor3A_857 = arith.constant 8 : i32
      %xor3A_858 = vector.broadcast %xor3A_857 : i32 to vector<16xi32>
      %xor3A_859 = arith.xori %iota3A, %xor3A_858 : vector<16xi32>
      %lt3A_860 = arith.constant 0 : i32
      %lt3A_861 = vector.broadcast %lt3A_860 : i32 to vector<16xi32>
      %lt3A_862 = arith.cmpi slt, %xor3A_859, %lt3A_861 : vector<16xi32>
      %add3A_863 = arith.constant 16 : i32
      %add3A_864 = vector.broadcast %add3A_863 : i32 to vector<16xi32>
      %add3A_865 = arith.addi %xor3A_859, %add3A_864 : vector<16xi32>
      %select_n3A_866 = arith.select %lt3A_862, %add3A_865, %xor3A_859 : vector<16xi1>, vector<16xi32>
      %broadcast_in_dim3A_867 = vector.shape_cast %select_n3A_866 : vector<16xi32> to vector<16x1xi32>
      %gather3A_868 = vector.shape_cast %broadcast_in_dim3A_867 : vector<16x1xi32> to vector<16xi32>
      %gather3A_869 = tpu.dynamic_gather %max3A_836[%gather3A_868] in [0] : vector<16xf32>, vector<16xi32> -> vector<16xf32>
      %max3A_870 = arith.maximumf %max3A_836, %gather3A_869 : vector<16xf32>
      %xor3A_871 = arith.constant 4 : i32
      %xor3A_872 = vector.broadcast %xor3A_871 : i32 to vector<16xi32>
      %xor3A_873 = arith.xori %iota3A, %xor3A_872 : vector<16xi32>
      %lt3A_874 = arith.constant 0 : i32
      %lt3A_875 = vector.broadcast %lt3A_874 : i32 to vector<16xi32>
      %lt3A_876 = arith.cmpi slt, %xor3A_873, %lt3A_875 : vector<16xi32>
      %add3A_877 = arith.constant 16 : i32
      %add3A_878 = vector.broadcast %add3A_877 : i32 to vector<16xi32>
      %add3A_879 = arith.addi %xor3A_873, %add3A_878 : vector<16xi32>
      %select_n3A_880 = arith.select %lt3A_876, %add3A_879, %xor3A_873 : vector<16xi1>, vector<16xi32>
      %broadcast_in_dim3A_881 = vector.shape_cast %select_n3A_880 : vector<16xi32> to vector<16x1xi32>
      %gather3A_882 = vector.shape_cast %broadcast_in_dim3A_881 : vector<16x1xi32> to vector<16xi32>
      %gather3A_883 = tpu.dynamic_gather %max3A_870[%gather3A_882] in [0] : vector<16xf32>, vector<16xi32> -> vector<16xf32>
      %max3A_884 = arith.maximumf %max3A_870, %gather3A_883 : vector<16xf32>
      %xor3A_885 = arith.constant 2 : i32
      %xor3A_886 = vector.broadcast %xor3A_885 : i32 to vector<16xi32>
      %xor3A_887 = arith.xori %iota3A, %xor3A_886 : vector<16xi32>
      %lt3A_888 = arith.constant 0 : i32
      %lt3A_889 = vector.broadcast %lt3A_888 : i32 to vector<16xi32>
      %lt3A_890 = arith.cmpi slt, %xor3A_887, %lt3A_889 : vector<16xi32>
      %add3A_891 = arith.constant 16 : i32
      %add3A_892 = vector.broadcast %add3A_891 : i32 to vector<16xi32>
      %add3A_893 = arith.addi %xor3A_887, %add3A_892 : vector<16xi32>
      %select_n3A_894 = arith.select %lt3A_890, %add3A_893, %xor3A_887 : vector<16xi1>, vector<16xi32>
      %broadcast_in_dim3A_895 = vector.shape_cast %select_n3A_894 : vector<16xi32> to vector<16x1xi32>
      %gather3A_896 = vector.shape_cast %broadcast_in_dim3A_895 : vector<16x1xi32> to vector<16xi32>
      %gather3A_897 = tpu.dynamic_gather %max3A_884[%gather3A_896] in [0] : vector<16xf32>, vector<16xi32> -> vector<16xf32>
      %max3A_898 = arith.maximumf %max3A_884, %gather3A_897 : vector<16xf32>
      %xor3A_899 = arith.constant 1 : i32
      %xor3A_900 = vector.broadcast %xor3A_899 : i32 to vector<16xi32>
      %xor3A_901 = arith.xori %iota3A, %xor3A_900 : vector<16xi32>
      %lt3A_902 = arith.constant 0 : i32
      %lt3A_903 = vector.broadcast %lt3A_902 : i32 to vector<16xi32>
      %lt3A_904 = arith.cmpi slt, %xor3A_901, %lt3A_903 : vector<16xi32>
      %add3A_905 = arith.constant 16 : i32
      %add3A_906 = vector.broadcast %add3A_905 : i32 to vector<16xi32>
      %add3A_907 = arith.addi %xor3A_901, %add3A_906 : vector<16xi32>
      %select_n3A_908 = arith.select %lt3A_904, %add3A_907, %xor3A_901 : vector<16xi1>, vector<16xi32>
      %broadcast_in_dim3A_909 = vector.shape_cast %select_n3A_908 : vector<16xi32> to vector<16x1xi32>
      %gather3A_910 = vector.shape_cast %broadcast_in_dim3A_909 : vector<16x1xi32> to vector<16xi32>
      %gather3A_911 = tpu.dynamic_gather %max3A_898[%gather3A_910] in [0] : vector<16xf32>, vector<16xi32> -> vector<16xf32>
      %max3A_912 = arith.maximumf %max3A_898, %gather3A_911 : vector<16xf32>
      %eq3A_913 = arith.cmpf oeq, %max3A_836, %max3A_912 : vector<16xf32>
      %jit3A_914 = arith.constant 1.000000e+09 : f32
      %broadcast_in_dim3A_915 = vector.broadcast %jit3A_914 : f32 to vector<16xf32>
      %select_n3A_916 = arith.select %eq3A_913, %min3A_840, %broadcast_in_dim3A_915 : vector<16xi1>, vector<16xf32>
      %xor3A_917 = arith.constant 8 : i32
      %xor3A_918 = vector.broadcast %xor3A_917 : i32 to vector<16xi32>
      %xor3A_919 = arith.xori %iota3A, %xor3A_918 : vector<16xi32>
      %lt3A_920 = arith.constant 0 : i32
      %lt3A_921 = vector.broadcast %lt3A_920 : i32 to vector<16xi32>
      %lt3A_922 = arith.cmpi slt, %xor3A_919, %lt3A_921 : vector<16xi32>
      %add3A_923 = arith.constant 16 : i32
      %add3A_924 = vector.broadcast %add3A_923 : i32 to vector<16xi32>
      %add3A_925 = arith.addi %xor3A_919, %add3A_924 : vector<16xi32>
      %select_n3A_926 = arith.select %lt3A_922, %add3A_925, %xor3A_919 : vector<16xi1>, vector<16xi32>
      %broadcast_in_dim3A_927 = vector.shape_cast %select_n3A_926 : vector<16xi32> to vector<16x1xi32>
      %gather3A_928 = vector.shape_cast %broadcast_in_dim3A_927 : vector<16x1xi32> to vector<16xi32>
      %gather3A_929 = tpu.dynamic_gather %select_n3A_916[%gather3A_928] in [0] : vector<16xf32>, vector<16xi32> -> vector<16xf32>
      %min3A_930 = arith.minimumf %select_n3A_916, %gather3A_929 : vector<16xf32>
      %xor3A_931 = arith.constant 4 : i32
      %xor3A_932 = vector.broadcast %xor3A_931 : i32 to vector<16xi32>
      %xor3A_933 = arith.xori %iota3A, %xor3A_932 : vector<16xi32>
      %lt3A_934 = arith.constant 0 : i32
      %lt3A_935 = vector.broadcast %lt3A_934 : i32 to vector<16xi32>
      %lt3A_936 = arith.cmpi slt, %xor3A_933, %lt3A_935 : vector<16xi32>
      %add3A_937 = arith.constant 16 : i32
      %add3A_938 = vector.broadcast %add3A_937 : i32 to vector<16xi32>
      %add3A_939 = arith.addi %xor3A_933, %add3A_938 : vector<16xi32>
      %select_n3A_940 = arith.select %lt3A_936, %add3A_939, %xor3A_933 : vector<16xi1>, vector<16xi32>
      %broadcast_in_dim3A_941 = vector.shape_cast %select_n3A_940 : vector<16xi32> to vector<16x1xi32>
      %gather3A_942 = vector.shape_cast %broadcast_in_dim3A_941 : vector<16x1xi32> to vector<16xi32>
      %gather3A_943 = tpu.dynamic_gather %min3A_930[%gather3A_942] in [0] : vector<16xf32>, vector<16xi32> -> vector<16xf32>
      %min3A_944 = arith.minimumf %min3A_930, %gather3A_943 : vector<16xf32>
      %xor3A_945 = arith.constant 2 : i32
      %xor3A_946 = vector.broadcast %xor3A_945 : i32 to vector<16xi32>
      %xor3A_947 = arith.xori %iota3A, %xor3A_946 : vector<16xi32>
      %lt3A_948 = arith.constant 0 : i32
      %lt3A_949 = vector.broadcast %lt3A_948 : i32 to vector<16xi32>
      %lt3A_950 = arith.cmpi slt, %xor3A_947, %lt3A_949 : vector<16xi32>
      %add3A_951 = arith.constant 16 : i32
      %add3A_952 = vector.broadcast %add3A_951 : i32 to vector<16xi32>
      %add3A_953 = arith.addi %xor3A_947, %add3A_952 : vector<16xi32>
      %select_n3A_954 = arith.select %lt3A_950, %add3A_953, %xor3A_947 : vector<16xi1>, vector<16xi32>
      %broadcast_in_dim3A_955 = vector.shape_cast %select_n3A_954 : vector<16xi32> to vector<16x1xi32>
      %gather3A_956 = vector.shape_cast %broadcast_in_dim3A_955 : vector<16x1xi32> to vector<16xi32>
      %gather3A_957 = tpu.dynamic_gather %min3A_944[%gather3A_956] in [0] : vector<16xf32>, vector<16xi32> -> vector<16xf32>
      %min3A_958 = arith.minimumf %min3A_944, %gather3A_957 : vector<16xf32>
      %xor3A_959 = arith.constant 1 : i32
      %xor3A_960 = vector.broadcast %xor3A_959 : i32 to vector<16xi32>
      %xor3A_961 = arith.xori %iota3A, %xor3A_960 : vector<16xi32>
      %lt3A_962 = arith.constant 0 : i32
      %lt3A_963 = vector.broadcast %lt3A_962 : i32 to vector<16xi32>
      %lt3A_964 = arith.cmpi slt, %xor3A_961, %lt3A_963 : vector<16xi32>
      %add3A_965 = arith.constant 16 : i32
      %add3A_966 = vector.broadcast %add3A_965 : i32 to vector<16xi32>
      %add3A_967 = arith.addi %xor3A_961, %add3A_966 : vector<16xi32>
      %select_n3A_968 = arith.select %lt3A_964, %add3A_967, %xor3A_961 : vector<16xi1>, vector<16xi32>
      %broadcast_in_dim3A_969 = vector.shape_cast %select_n3A_968 : vector<16xi32> to vector<16x1xi32>
      %gather3A_970 = vector.shape_cast %broadcast_in_dim3A_969 : vector<16x1xi32> to vector<16xi32>
      %gather3A_971 = tpu.dynamic_gather %min3A_958[%gather3A_970] in [0] : vector<16xf32>, vector<16xi32> -> vector<16xf32>
      %min3A_972 = arith.minimumf %min3A_958, %gather3A_971 : vector<16xf32>
      %eq3A_973 = arith.cmpf oeq, %min3A_840, %min3A_972 : vector<16xf32>
      %jit3A_974 = arith.constant 3.000000e+38 : f32
      %broadcast_in_dim3A_975 = vector.broadcast %jit3A_974 : f32 to vector<16xf32>
      %select_n3A_976 = arith.select %eq3A_973, %min3A_844, %broadcast_in_dim3A_975 : vector<16xi1>, vector<16xf32>
      %xor3A_977 = arith.constant 8 : i32
      %xor3A_978 = vector.broadcast %xor3A_977 : i32 to vector<16xi32>
      %xor3A_979 = arith.xori %iota3A, %xor3A_978 : vector<16xi32>
      %lt3A_980 = arith.constant 0 : i32
      %lt3A_981 = vector.broadcast %lt3A_980 : i32 to vector<16xi32>
      %lt3A_982 = arith.cmpi slt, %xor3A_979, %lt3A_981 : vector<16xi32>
      %add3A_983 = arith.constant 16 : i32
      %add3A_984 = vector.broadcast %add3A_983 : i32 to vector<16xi32>
      %add3A_985 = arith.addi %xor3A_979, %add3A_984 : vector<16xi32>
      %select_n3A_986 = arith.select %lt3A_982, %add3A_985, %xor3A_979 : vector<16xi1>, vector<16xi32>
      %broadcast_in_dim3A_987 = vector.shape_cast %select_n3A_986 : vector<16xi32> to vector<16x1xi32>
      %gather3A_988 = vector.shape_cast %broadcast_in_dim3A_987 : vector<16x1xi32> to vector<16xi32>
      %gather3A_989 = tpu.dynamic_gather %select_n3A_976[%gather3A_988] in [0] : vector<16xf32>, vector<16xi32> -> vector<16xf32>
      %min3A_990 = arith.minimumf %select_n3A_976, %gather3A_989 : vector<16xf32>
      %xor3A_991 = arith.constant 4 : i32
      %xor3A_992 = vector.broadcast %xor3A_991 : i32 to vector<16xi32>
      %xor3A_993 = arith.xori %iota3A, %xor3A_992 : vector<16xi32>
      %lt3A_994 = arith.constant 0 : i32
      %lt3A_995 = vector.broadcast %lt3A_994 : i32 to vector<16xi32>
      %lt3A_996 = arith.cmpi slt, %xor3A_993, %lt3A_995 : vector<16xi32>
      %add3A_997 = arith.constant 16 : i32
      %add3A_998 = vector.broadcast %add3A_997 : i32 to vector<16xi32>
      %add3A_999 = arith.addi %xor3A_993, %add3A_998 : vector<16xi32>
      %select_n3A_1000 = arith.select %lt3A_996, %add3A_999, %xor3A_993 : vector<16xi1>, vector<16xi32>
      %broadcast_in_dim3A_1001 = vector.shape_cast %select_n3A_1000 : vector<16xi32> to vector<16x1xi32>
      %gather3A_1002 = vector.shape_cast %broadcast_in_dim3A_1001 : vector<16x1xi32> to vector<16xi32>
      %gather3A_1003 = tpu.dynamic_gather %min3A_990[%gather3A_1002] in [0] : vector<16xf32>, vector<16xi32> -> vector<16xf32>
      %min3A_1004 = arith.minimumf %min3A_990, %gather3A_1003 : vector<16xf32>
      %xor3A_1005 = arith.constant 2 : i32
      %xor3A_1006 = vector.broadcast %xor3A_1005 : i32 to vector<16xi32>
      %xor3A_1007 = arith.xori %iota3A, %xor3A_1006 : vector<16xi32>
      %lt3A_1008 = arith.constant 0 : i32
      %lt3A_1009 = vector.broadcast %lt3A_1008 : i32 to vector<16xi32>
      %lt3A_1010 = arith.cmpi slt, %xor3A_1007, %lt3A_1009 : vector<16xi32>
      %add3A_1011 = arith.constant 16 : i32
      %add3A_1012 = vector.broadcast %add3A_1011 : i32 to vector<16xi32>
      %add3A_1013 = arith.addi %xor3A_1007, %add3A_1012 : vector<16xi32>
      %select_n3A_1014 = arith.select %lt3A_1010, %add3A_1013, %xor3A_1007 : vector<16xi1>, vector<16xi32>
      %broadcast_in_dim3A_1015 = vector.shape_cast %select_n3A_1014 : vector<16xi32> to vector<16x1xi32>
      %gather3A_1016 = vector.shape_cast %broadcast_in_dim3A_1015 : vector<16x1xi32> to vector<16xi32>
      %gather3A_1017 = tpu.dynamic_gather %min3A_1004[%gather3A_1016] in [0] : vector<16xf32>, vector<16xi32> -> vector<16xf32>
      %min3A_1018 = arith.minimumf %min3A_1004, %gather3A_1017 : vector<16xf32>
      %xor3A_1019 = arith.constant 1 : i32
      %xor3A_1020 = vector.broadcast %xor3A_1019 : i32 to vector<16xi32>
      %xor3A_1021 = arith.xori %iota3A, %xor3A_1020 : vector<16xi32>
      %lt3A_1022 = arith.constant 0 : i32
      %lt3A_1023 = vector.broadcast %lt3A_1022 : i32 to vector<16xi32>
      %lt3A_1024 = arith.cmpi slt, %xor3A_1021, %lt3A_1023 : vector<16xi32>
      %add3A_1025 = arith.constant 16 : i32
      %add3A_1026 = vector.broadcast %add3A_1025 : i32 to vector<16xi32>
      %add3A_1027 = arith.addi %xor3A_1021, %add3A_1026 : vector<16xi32>
      %select_n3A_1028 = arith.select %lt3A_1024, %add3A_1027, %xor3A_1021 : vector<16xi1>, vector<16xi32>
      %broadcast_in_dim3A_1029 = vector.shape_cast %select_n3A_1028 : vector<16xi32> to vector<16x1xi32>
      %gather3A_1030 = vector.shape_cast %broadcast_in_dim3A_1029 : vector<16x1xi32> to vector<16xi32>
      %gather3A_1031 = tpu.dynamic_gather %min3A_1018[%gather3A_1030] in [0] : vector<16xf32>, vector<16xi32> -> vector<16xf32>
      %min3A_1032 = arith.minimumf %min3A_1018, %gather3A_1031 : vector<16xf32>
      %jit3A_1033 = arith.constant 3.000000e+38 : f32
      %broadcast_in_dim3A_1034 = vector.broadcast %jit3A_1033 : f32 to vector<16xf32>
      %select_n3A_1035 = arith.select %eq3A_973, %min3A_848, %broadcast_in_dim3A_1034 : vector<16xi1>, vector<16xf32>
      %xor3A_1036 = arith.constant 8 : i32
      %xor3A_1037 = vector.broadcast %xor3A_1036 : i32 to vector<16xi32>
      %xor3A_1038 = arith.xori %iota3A, %xor3A_1037 : vector<16xi32>
      %lt3A_1039 = arith.constant 0 : i32
      %lt3A_1040 = vector.broadcast %lt3A_1039 : i32 to vector<16xi32>
      %lt3A_1041 = arith.cmpi slt, %xor3A_1038, %lt3A_1040 : vector<16xi32>
      %add3A_1042 = arith.constant 16 : i32
      %add3A_1043 = vector.broadcast %add3A_1042 : i32 to vector<16xi32>
      %add3A_1044 = arith.addi %xor3A_1038, %add3A_1043 : vector<16xi32>
      %select_n3A_1045 = arith.select %lt3A_1041, %add3A_1044, %xor3A_1038 : vector<16xi1>, vector<16xi32>
      %broadcast_in_dim3A_1046 = vector.shape_cast %select_n3A_1045 : vector<16xi32> to vector<16x1xi32>
      %gather3A_1047 = vector.shape_cast %broadcast_in_dim3A_1046 : vector<16x1xi32> to vector<16xi32>
      %gather3A_1048 = tpu.dynamic_gather %select_n3A_1035[%gather3A_1047] in [0] : vector<16xf32>, vector<16xi32> -> vector<16xf32>
      %min3A_1049 = arith.minimumf %select_n3A_1035, %gather3A_1048 : vector<16xf32>
      %xor3A_1050 = arith.constant 4 : i32
      %xor3A_1051 = vector.broadcast %xor3A_1050 : i32 to vector<16xi32>
      %xor3A_1052 = arith.xori %iota3A, %xor3A_1051 : vector<16xi32>
      %lt3A_1053 = arith.constant 0 : i32
      %lt3A_1054 = vector.broadcast %lt3A_1053 : i32 to vector<16xi32>
      %lt3A_1055 = arith.cmpi slt, %xor3A_1052, %lt3A_1054 : vector<16xi32>
      %add3A_1056 = arith.constant 16 : i32
      %add3A_1057 = vector.broadcast %add3A_1056 : i32 to vector<16xi32>
      %add3A_1058 = arith.addi %xor3A_1052, %add3A_1057 : vector<16xi32>
      %select_n3A_1059 = arith.select %lt3A_1055, %add3A_1058, %xor3A_1052 : vector<16xi1>, vector<16xi32>
      %broadcast_in_dim3A_1060 = vector.shape_cast %select_n3A_1059 : vector<16xi32> to vector<16x1xi32>
      %gather3A_1061 = vector.shape_cast %broadcast_in_dim3A_1060 : vector<16x1xi32> to vector<16xi32>
      %gather3A_1062 = tpu.dynamic_gather %min3A_1049[%gather3A_1061] in [0] : vector<16xf32>, vector<16xi32> -> vector<16xf32>
      %min3A_1063 = arith.minimumf %min3A_1049, %gather3A_1062 : vector<16xf32>
      %xor3A_1064 = arith.constant 2 : i32
      %xor3A_1065 = vector.broadcast %xor3A_1064 : i32 to vector<16xi32>
      %xor3A_1066 = arith.xori %iota3A, %xor3A_1065 : vector<16xi32>
      %lt3A_1067 = arith.constant 0 : i32
      %lt3A_1068 = vector.broadcast %lt3A_1067 : i32 to vector<16xi32>
      %lt3A_1069 = arith.cmpi slt, %xor3A_1066, %lt3A_1068 : vector<16xi32>
      %add3A_1070 = arith.constant 16 : i32
      %add3A_1071 = vector.broadcast %add3A_1070 : i32 to vector<16xi32>
      %add3A_1072 = arith.addi %xor3A_1066, %add3A_1071 : vector<16xi32>
      %select_n3A_1073 = arith.select %lt3A_1069, %add3A_1072, %xor3A_1066 : vector<16xi1>, vector<16xi32>
      %broadcast_in_dim3A_1074 = vector.shape_cast %select_n3A_1073 : vector<16xi32> to vector<16x1xi32>
      %gather3A_1075 = vector.shape_cast %broadcast_in_dim3A_1074 : vector<16x1xi32> to vector<16xi32>
      %gather3A_1076 = tpu.dynamic_gather %min3A_1063[%gather3A_1075] in [0] : vector<16xf32>, vector<16xi32> -> vector<16xf32>
      %min3A_1077 = arith.minimumf %min3A_1063, %gather3A_1076 : vector<16xf32>
      %xor3A_1078 = arith.constant 1 : i32
      %xor3A_1079 = vector.broadcast %xor3A_1078 : i32 to vector<16xi32>
      %xor3A_1080 = arith.xori %iota3A, %xor3A_1079 : vector<16xi32>
      %lt3A_1081 = arith.constant 0 : i32
      %lt3A_1082 = vector.broadcast %lt3A_1081 : i32 to vector<16xi32>
      %lt3A_1083 = arith.cmpi slt, %xor3A_1080, %lt3A_1082 : vector<16xi32>
      %add3A_1084 = arith.constant 16 : i32
      %add3A_1085 = vector.broadcast %add3A_1084 : i32 to vector<16xi32>
      %add3A_1086 = arith.addi %xor3A_1080, %add3A_1085 : vector<16xi32>
      %select_n3A_1087 = arith.select %lt3A_1083, %add3A_1086, %xor3A_1080 : vector<16xi1>, vector<16xi32>
      %broadcast_in_dim3A_1088 = vector.shape_cast %select_n3A_1087 : vector<16xi32> to vector<16x1xi32>
      %gather3A_1089 = vector.shape_cast %broadcast_in_dim3A_1088 : vector<16x1xi32> to vector<16xi32>
      %gather3A_1090 = tpu.dynamic_gather %min3A_1077[%gather3A_1089] in [0] : vector<16xf32>, vector<16xi32> -> vector<16xf32>
      %min3A_1091 = arith.minimumf %min3A_1077, %gather3A_1090 : vector<16xf32>
      %jit3A_1092 = arith.constant 3.000000e+38 : f32
      %broadcast_in_dim3A_1093 = vector.broadcast %jit3A_1092 : f32 to vector<16xf32>
      %select_n3A_1094 = arith.select %eq3A_973, %min3A_852, %broadcast_in_dim3A_1093 : vector<16xi1>, vector<16xf32>
      %xor3A_1095 = arith.constant 8 : i32
      %xor3A_1096 = vector.broadcast %xor3A_1095 : i32 to vector<16xi32>
      %xor3A_1097 = arith.xori %iota3A, %xor3A_1096 : vector<16xi32>
      %lt3A_1098 = arith.constant 0 : i32
      %lt3A_1099 = vector.broadcast %lt3A_1098 : i32 to vector<16xi32>
      %lt3A_1100 = arith.cmpi slt, %xor3A_1097, %lt3A_1099 : vector<16xi32>
      %add3A_1101 = arith.constant 16 : i32
      %add3A_1102 = vector.broadcast %add3A_1101 : i32 to vector<16xi32>
      %add3A_1103 = arith.addi %xor3A_1097, %add3A_1102 : vector<16xi32>
      %select_n3A_1104 = arith.select %lt3A_1100, %add3A_1103, %xor3A_1097 : vector<16xi1>, vector<16xi32>
      %broadcast_in_dim3A_1105 = vector.shape_cast %select_n3A_1104 : vector<16xi32> to vector<16x1xi32>
      %gather3A_1106 = vector.shape_cast %broadcast_in_dim3A_1105 : vector<16x1xi32> to vector<16xi32>
      %gather3A_1107 = tpu.dynamic_gather %select_n3A_1094[%gather3A_1106] in [0] : vector<16xf32>, vector<16xi32> -> vector<16xf32>
      %min3A_1108 = arith.minimumf %select_n3A_1094, %gather3A_1107 : vector<16xf32>
      %xor3A_1109 = arith.constant 4 : i32
      %xor3A_1110 = vector.broadcast %xor3A_1109 : i32 to vector<16xi32>
      %xor3A_1111 = arith.xori %iota3A, %xor3A_1110 : vector<16xi32>
      %lt3A_1112 = arith.constant 0 : i32
      %lt3A_1113 = vector.broadcast %lt3A_1112 : i32 to vector<16xi32>
      %lt3A_1114 = arith.cmpi slt, %xor3A_1111, %lt3A_1113 : vector<16xi32>
      %add3A_1115 = arith.constant 16 : i32
      %add3A_1116 = vector.broadcast %add3A_1115 : i32 to vector<16xi32>
      %add3A_1117 = arith.addi %xor3A_1111, %add3A_1116 : vector<16xi32>
      %select_n3A_1118 = arith.select %lt3A_1114, %add3A_1117, %xor3A_1111 : vector<16xi1>, vector<16xi32>
      %broadcast_in_dim3A_1119 = vector.shape_cast %select_n3A_1118 : vector<16xi32> to vector<16x1xi32>
      %gather3A_1120 = vector.shape_cast %broadcast_in_dim3A_1119 : vector<16x1xi32> to vector<16xi32>
      %gather3A_1121 = tpu.dynamic_gather %min3A_1108[%gather3A_1120] in [0] : vector<16xf32>, vector<16xi32> -> vector<16xf32>
      %min3A_1122 = arith.minimumf %min3A_1108, %gather3A_1121 : vector<16xf32>
      %xor3A_1123 = arith.constant 2 : i32
      %xor3A_1124 = vector.broadcast %xor3A_1123 : i32 to vector<16xi32>
      %xor3A_1125 = arith.xori %iota3A, %xor3A_1124 : vector<16xi32>
      %lt3A_1126 = arith.constant 0 : i32
      %lt3A_1127 = vector.broadcast %lt3A_1126 : i32 to vector<16xi32>
      %lt3A_1128 = arith.cmpi slt, %xor3A_1125, %lt3A_1127 : vector<16xi32>
      %add3A_1129 = arith.constant 16 : i32
      %add3A_1130 = vector.broadcast %add3A_1129 : i32 to vector<16xi32>
      %add3A_1131 = arith.addi %xor3A_1125, %add3A_1130 : vector<16xi32>
      %select_n3A_1132 = arith.select %lt3A_1128, %add3A_1131, %xor3A_1125 : vector<16xi1>, vector<16xi32>
      %broadcast_in_dim3A_1133 = vector.shape_cast %select_n3A_1132 : vector<16xi32> to vector<16x1xi32>
      %gather3A_1134 = vector.shape_cast %broadcast_in_dim3A_1133 : vector<16x1xi32> to vector<16xi32>
      %gather3A_1135 = tpu.dynamic_gather %min3A_1122[%gather3A_1134] in [0] : vector<16xf32>, vector<16xi32> -> vector<16xf32>
      %min3A_1136 = arith.minimumf %min3A_1122, %gather3A_1135 : vector<16xf32>
      %xor3A_1137 = arith.constant 1 : i32
      %xor3A_1138 = vector.broadcast %xor3A_1137 : i32 to vector<16xi32>
      %xor3A_1139 = arith.xori %iota3A, %xor3A_1138 : vector<16xi32>
      %lt3A_1140 = arith.constant 0 : i32
      %lt3A_1141 = vector.broadcast %lt3A_1140 : i32 to vector<16xi32>
      %lt3A_1142 = arith.cmpi slt, %xor3A_1139, %lt3A_1141 : vector<16xi32>
      %add3A_1143 = arith.constant 16 : i32
      %add3A_1144 = vector.broadcast %add3A_1143 : i32 to vector<16xi32>
      %add3A_1145 = arith.addi %xor3A_1139, %add3A_1144 : vector<16xi32>
      %select_n3A_1146 = arith.select %lt3A_1142, %add3A_1145, %xor3A_1139 : vector<16xi1>, vector<16xi32>
      %broadcast_in_dim3A_1147 = vector.shape_cast %select_n3A_1146 : vector<16xi32> to vector<16x1xi32>
      %gather3A_1148 = vector.shape_cast %broadcast_in_dim3A_1147 : vector<16x1xi32> to vector<16xi32>
      %gather3A_1149 = tpu.dynamic_gather %min3A_1136[%gather3A_1148] in [0] : vector<16xf32>, vector<16xi32> -> vector<16xf32>
      %min3A_1150 = arith.minimumf %min3A_1136, %gather3A_1149 : vector<16xf32>
      %jit3A_1151 = arith.constant 3.000000e+38 : f32
      %broadcast_in_dim3A_1152 = vector.broadcast %jit3A_1151 : f32 to vector<16xf32>
      %select_n3A_1153 = arith.select %eq3A_973, %min3A_856, %broadcast_in_dim3A_1152 : vector<16xi1>, vector<16xf32>
      %xor3A_1154 = arith.constant 8 : i32
      %xor3A_1155 = vector.broadcast %xor3A_1154 : i32 to vector<16xi32>
      %xor3A_1156 = arith.xori %iota3A, %xor3A_1155 : vector<16xi32>
      %lt3A_1157 = arith.constant 0 : i32
      %lt3A_1158 = vector.broadcast %lt3A_1157 : i32 to vector<16xi32>
      %lt3A_1159 = arith.cmpi slt, %xor3A_1156, %lt3A_1158 : vector<16xi32>
      %add3A_1160 = arith.constant 16 : i32
      %add3A_1161 = vector.broadcast %add3A_1160 : i32 to vector<16xi32>
      %add3A_1162 = arith.addi %xor3A_1156, %add3A_1161 : vector<16xi32>
      %select_n3A_1163 = arith.select %lt3A_1159, %add3A_1162, %xor3A_1156 : vector<16xi1>, vector<16xi32>
      %broadcast_in_dim3A_1164 = vector.shape_cast %select_n3A_1163 : vector<16xi32> to vector<16x1xi32>
      %gather3A_1165 = vector.shape_cast %broadcast_in_dim3A_1164 : vector<16x1xi32> to vector<16xi32>
      %gather3A_1166 = tpu.dynamic_gather %select_n3A_1153[%gather3A_1165] in [0] : vector<16xf32>, vector<16xi32> -> vector<16xf32>
      %min3A_1167 = arith.minimumf %select_n3A_1153, %gather3A_1166 : vector<16xf32>
      %xor3A_1168 = arith.constant 4 : i32
      %xor3A_1169 = vector.broadcast %xor3A_1168 : i32 to vector<16xi32>
      %xor3A_1170 = arith.xori %iota3A, %xor3A_1169 : vector<16xi32>
      %lt3A_1171 = arith.constant 0 : i32
      %lt3A_1172 = vector.broadcast %lt3A_1171 : i32 to vector<16xi32>
      %lt3A_1173 = arith.cmpi slt, %xor3A_1170, %lt3A_1172 : vector<16xi32>
      %add3A_1174 = arith.constant 16 : i32
      %add3A_1175 = vector.broadcast %add3A_1174 : i32 to vector<16xi32>
      %add3A_1176 = arith.addi %xor3A_1170, %add3A_1175 : vector<16xi32>
      %select_n3A_1177 = arith.select %lt3A_1173, %add3A_1176, %xor3A_1170 : vector<16xi1>, vector<16xi32>
      %broadcast_in_dim3A_1178 = vector.shape_cast %select_n3A_1177 : vector<16xi32> to vector<16x1xi32>
      %gather3A_1179 = vector.shape_cast %broadcast_in_dim3A_1178 : vector<16x1xi32> to vector<16xi32>
      %gather3A_1180 = tpu.dynamic_gather %min3A_1167[%gather3A_1179] in [0] : vector<16xf32>, vector<16xi32> -> vector<16xf32>
      %min3A_1181 = arith.minimumf %min3A_1167, %gather3A_1180 : vector<16xf32>
      %xor3A_1182 = arith.constant 2 : i32
      %xor3A_1183 = vector.broadcast %xor3A_1182 : i32 to vector<16xi32>
      %xor3A_1184 = arith.xori %iota3A, %xor3A_1183 : vector<16xi32>
      %lt3A_1185 = arith.constant 0 : i32
      %lt3A_1186 = vector.broadcast %lt3A_1185 : i32 to vector<16xi32>
      %lt3A_1187 = arith.cmpi slt, %xor3A_1184, %lt3A_1186 : vector<16xi32>
      %add3A_1188 = arith.constant 16 : i32
      %add3A_1189 = vector.broadcast %add3A_1188 : i32 to vector<16xi32>
      %add3A_1190 = arith.addi %xor3A_1184, %add3A_1189 : vector<16xi32>
      %select_n3A_1191 = arith.select %lt3A_1187, %add3A_1190, %xor3A_1184 : vector<16xi1>, vector<16xi32>
      %broadcast_in_dim3A_1192 = vector.shape_cast %select_n3A_1191 : vector<16xi32> to vector<16x1xi32>
      %gather3A_1193 = vector.shape_cast %broadcast_in_dim3A_1192 : vector<16x1xi32> to vector<16xi32>
      %gather3A_1194 = tpu.dynamic_gather %min3A_1181[%gather3A_1193] in [0] : vector<16xf32>, vector<16xi32> -> vector<16xf32>
      %min3A_1195 = arith.minimumf %min3A_1181, %gather3A_1194 : vector<16xf32>
      %xor3A_1196 = arith.constant 1 : i32
      %xor3A_1197 = vector.broadcast %xor3A_1196 : i32 to vector<16xi32>
      %xor3A_1198 = arith.xori %iota3A, %xor3A_1197 : vector<16xi32>
      %lt3A_1199 = arith.constant 0 : i32
      %lt3A_1200 = vector.broadcast %lt3A_1199 : i32 to vector<16xi32>
      %lt3A_1201 = arith.cmpi slt, %xor3A_1198, %lt3A_1200 : vector<16xi32>
      %add3A_1202 = arith.constant 16 : i32
      %add3A_1203 = vector.broadcast %add3A_1202 : i32 to vector<16xi32>
      %add3A_1204 = arith.addi %xor3A_1198, %add3A_1203 : vector<16xi32>
      %select_n3A_1205 = arith.select %lt3A_1201, %add3A_1204, %xor3A_1198 : vector<16xi1>, vector<16xi32>
      %broadcast_in_dim3A_1206 = vector.shape_cast %select_n3A_1205 : vector<16xi32> to vector<16x1xi32>
      %gather3A_1207 = vector.shape_cast %broadcast_in_dim3A_1206 : vector<16x1xi32> to vector<16xi32>
      %gather3A_1208 = tpu.dynamic_gather %min3A_1195[%gather3A_1207] in [0] : vector<16xf32>, vector<16xi32> -> vector<16xf32>
      %min3A_1209 = arith.minimumf %min3A_1195, %gather3A_1208 : vector<16xf32>
      %gt3A_1210 = arith.constant 0.000000e+00 : f32
      %gt3A_1211 = vector.broadcast %gt3A_1210 : f32 to vector<16xf32>
      %gt3A_1212 = arith.cmpf ogt, %max3A_912, %gt3A_1211 : vector<16xf32>
      %jit3A_1213 = arith.constant 1.000000e+00 : f32
      %jit3A_1214 = arith.constant 0.000000e+00 : f32
      %broadcast_in_dim3A_1215 = vector.broadcast %jit3A_1213 : f32 to vector<16xf32>
      %broadcast_in_dim3A_1216 = vector.broadcast %jit3A_1214 : f32 to vector<16xf32>
      %select_n3A_1217 = arith.select %gt3A_1212, %broadcast_in_dim3A_1215, %broadcast_in_dim3A_1216 : vector<16xi1>, vector<16xf32>
      %sub3A = arith.subf %min3A_1150, %min3A_1032 : vector<16xf32>
      %sub3A_1218 = arith.subf %min3A_1209, %min3A_1091 : vector<16xf32>
      %mul3A_1219 = arith.mulf %sub3A, %sub3A_1218 : vector<16xf32>
      %scan3A_1220 = arith.constant 0 : i32
      %scan3A_1221 = arith.constant 0 : i32
      %scan3A_1222 = arith.constant 80 : i32
      %scan3A_1223 = arith.addi %scan3A_1221, %scan3A_1222 : i32
      %scan3A_1224 = arith.constant 1 : i32
      %scan3A_1225 = scf.for %scan3A_1255 = %scan3A_1221 to %scan3A_1223 step %scan3A_1224 iter_args(%scan3A_1256 = %scan3A_1220) -> (i32)  : i32 {
        %mul3A_1257 = arith.constant 16 : i32
        %mul3A_1258 = arith.muli %scan3A_1255, %mul3A_1257 : i32
        %get3A_1259 = arith.index_cast %mul3A_1258 : i32 to index
        %get3A_1260 = tpu.vector_load %arg8[%get3A_1259] {strides = array<i32>} : memref<1280xf32, #tpu.memory_space<vmem>>, vector<16xf32>,
        %get3A_1261 = vector.shape_cast %get3A_1260 : vector<16xf32> to vector<16xf32>
        %max3A_1262 = arith.maximumf %min3A_1032, %get3A_1261 : vector<16xf32>
        %get3A_1263 = arith.index_cast %mul3A_1258 : i32 to index
        %get3A_1264 = tpu.vector_load %arg9[%get3A_1263] {strides = array<i32>} : memref<1280xf32, #tpu.memory_space<vmem>>, vector<16xf32>,
        %get3A_1265 = vector.shape_cast %get3A_1264 : vector<16xf32> to vector<16xf32>
        %max3A_1266 = arith.maximumf %min3A_1091, %get3A_1265 : vector<16xf32>
        %get3A_1267 = arith.index_cast %mul3A_1258 : i32 to index
        %get3A_1268 = tpu.vector_load %arg10[%get3A_1267] {strides = array<i32>} : memref<1280xf32, #tpu.memory_space<vmem>>, vector<16xf32>,
        %get3A_1269 = vector.shape_cast %get3A_1268 : vector<16xf32> to vector<16xf32>
        %min3A_1270 = arith.minimumf %min3A_1150, %get3A_1269 : vector<16xf32>
        %get3A_1271 = arith.index_cast %mul3A_1258 : i32 to index
        %get3A_1272 = tpu.vector_load %arg11[%get3A_1271] {strides = array<i32>} : memref<1280xf32, #tpu.memory_space<vmem>>, vector<16xf32>,
        %get3A_1273 = vector.shape_cast %get3A_1272 : vector<16xf32> to vector<16xf32>
        %min3A_1274 = arith.minimumf %min3A_1209, %get3A_1273 : vector<16xf32>
        %sub3A_1275 = arith.subf %min3A_1270, %max3A_1262 : vector<16xf32>
        %max3A_1276 = arith.constant 0.000000e+00 : f32
        %max3A_1277 = vector.broadcast %max3A_1276 : f32 to vector<16xf32>
        %max3A_1278 = arith.maximumf %sub3A_1275, %max3A_1277 : vector<16xf32>
        %sub3A_1279 = arith.subf %min3A_1274, %max3A_1266 : vector<16xf32>
        %max3A_1280 = arith.constant 0.000000e+00 : f32
        %max3A_1281 = vector.broadcast %max3A_1280 : f32 to vector<16xf32>
        %max3A_1282 = arith.maximumf %sub3A_1279, %max3A_1281 : vector<16xf32>
        %mul3A_1283 = arith.mulf %max3A_1278, %max3A_1282 : vector<16xf32>
        %get3A_1284 = arith.index_cast %mul3A_1258 : i32 to index
        %get3A_1285 = tpu.vector_load %arg12[%get3A_1284] {strides = array<i32>} : memref<1280xf32, #tpu.memory_space<vmem>>, vector<16xf32>,
        %get3A_1286 = vector.shape_cast %get3A_1285 : vector<16xf32> to vector<16xf32>
        %add3A_1287 = arith.addf %mul3A_1219, %get3A_1286 : vector<16xf32>
        %sub3A_1288 = arith.subf %add3A_1287, %mul3A_1283 : vector<16xf32>
        %add3A_1289 = arith.constant 9.99999971E-10 : f32
        %add3A_1290 = vector.broadcast %add3A_1289 : f32 to vector<16xf32>
        %add3A_1291 = arith.addf %sub3A_1288, %add3A_1290 : vector<16xf32>
        %div3A = arith.divf %mul3A_1283, %add3A_1291 : vector<16xf32>
        %gt3A_1292 = arith.constant 5.000000e-01 : f32
        %gt3A_1293 = vector.broadcast %gt3A_1292 : f32 to vector<16xf32>
        %gt3A_1294 = arith.cmpf ogt, %select_n3A_1217, %gt3A_1293 : vector<16xf32>
        %gt3A_1295 = arith.constant 2.000000e-01 : f32
        %gt3A_1296 = vector.broadcast %gt3A_1295 : f32 to vector<16xf32>
        %gt3A_1297 = arith.cmpf ogt, %div3A, %gt3A_1296 : vector<16xf32>
        %and3A = arith.andi %gt3A_1294, %gt3A_1297 : vector<16xi1>
        %get3A_1298 = arith.index_cast %mul3A_1258 : i32 to index
        %get3A_1299 = tpu.vector_load %arg13[%get3A_1298] {strides = array<i32>} : memref<1280xf32, #tpu.memory_space<vmem>>, vector<16xf32>,
        %get3A_1300 = vector.shape_cast %get3A_1299 : vector<16xf32> to vector<16xf32>
        %jit3A_1301 = arith.constant -1.000000e+09 : f32
        %broadcast_in_dim3A_1302 = vector.broadcast %jit3A_1301 : f32 to vector<16xf32>
        %select_n3A_1303 = arith.select %and3A, %broadcast_in_dim3A_1302, %get3A_1300 : vector<16xi1>, vector<16xf32>
        %swap3A_1304 = arith.index_cast %mul3A_1258 : i32 to index
        %swap3A_1305 = tpu.vector_load %arg13[%swap3A_1304] {strides = array<i32>} : memref<1280xf32, #tpu.memory_space<vmem>>, vector<16xf32>,
        %swap3A_1306 = vector.shape_cast %swap3A_1305 : vector<16xf32> to vector<16xf32>
        %swap3A_1307 = vector.shape_cast %select_n3A_1303 : vector<16xf32> to vector<16xf32>
        tpu.vector_store %arg13[%swap3A_1304], %swap3A_1307 {strides = array<i32>} : memref<1280xf32, #tpu.memory_space<vmem>>, vector<16xf32>,
        %scan3A_1308 = arith.constant 0 : i32
        scf.yield %scan3A_1308 : i32
      }
      %scan3A_1226 = arith.constant 80 : i32
      %eq3A_1227 = arith.constant 0 : i32
      %eq3A_1228 = vector.broadcast %eq3A_1227 : i32 to vector<16xi32>
      %eq3A_1229 = arith.cmpi eq, %iota3A, %eq3A_1228 : vector<16xi32>
      %eq3A_1230 = arith.constant 1 : i32
      %eq3A_1231 = vector.broadcast %eq3A_1230 : i32 to vector<16xi32>
      %eq3A_1232 = arith.cmpi eq, %iota3A, %eq3A_1231 : vector<16xi32>
      %eq3A_1233 = arith.constant 2 : i32
      %eq3A_1234 = vector.broadcast %eq3A_1233 : i32 to vector<16xi32>
      %eq3A_1235 = arith.cmpi eq, %iota3A, %eq3A_1234 : vector<16xi32>
      %eq3A_1236 = arith.constant 3 : i32
      %eq3A_1237 = vector.broadcast %eq3A_1236 : i32 to vector<16xi32>
      %eq3A_1238 = arith.cmpi eq, %iota3A, %eq3A_1237 : vector<16xi32>
      %eq3A_1239 = arith.constant 4 : i32
      %eq3A_1240 = vector.broadcast %eq3A_1239 : i32 to vector<16xi32>
      %eq3A_1241 = arith.cmpi eq, %iota3A, %eq3A_1240 : vector<16xi32>
      %jit3A_1242 = arith.constant 0.000000e+00 : f32
      %broadcast_in_dim3A_1243 = vector.broadcast %jit3A_1242 : f32 to vector<16xf32>
      %select_n3A_1244 = arith.select %eq3A_1241, %max3A_912, %broadcast_in_dim3A_1243 : vector<16xi1>, vector<16xf32>
      %select_n3A_1245 = arith.select %eq3A_1238, %min3A_1209, %select_n3A_1244 : vector<16xi1>, vector<16xf32>
      %select_n3A_1246 = arith.select %eq3A_1235, %min3A_1150, %select_n3A_1245 : vector<16xi1>, vector<16xf32>
      %select_n3A_1247 = arith.select %eq3A_1232, %min3A_1091, %select_n3A_1246 : vector<16xi1>, vector<16xf32>
      %select_n3A_1248 = arith.select %eq3A_1229, %min3A_1032, %select_n3A_1247 : vector<16xi1>, vector<16xf32>
      %mul3A_1249 = arith.mulf %select_n3A_1248, %select_n3A_1217 : vector<16xf32>
      %eq3A_1250 = arith.constant 0 : i32
      %eq3A_1251 = arith.cmpi eq, %arg1, %eq3A_1250 : i32
      %convert_element_type3A_1252 = arith.extui %eq3A_1251 : i1 to i32
      %cond3A = arith.constant 0 : i32
      %cond3A_1253 = arith.cmpi ne, %convert_element_type3A_1252, %cond3A : i32
      scf.if %cond3A_1253 {
        %swap3A_1255 = arith.constant 0 : index
        %swap3A_1256 = tpu.vector_load %arg16[%swap3A_1255] {strides = array<i32>} : memref<16xf32, #tpu.memory_space<vmem>>, vector<16xf32>,
        %swap3A_1257 = vector.shape_cast %swap3A_1256 : vector<16xf32> to vector<16xf32>
        %swap3A_1258 = vector.shape_cast %mul3A_1249 : vector<16xf32> to vector<16xf32>
        tpu.vector_store %arg16[%swap3A_1255], %swap3A_1258 {strides = array<i32>} : memref<16xf32, #tpu.memory_space<vmem>>, vector<16xf32>,
        "tpu.region"() ({
          %run_scoped3A = tpu.sem_alloc : memref<!tpu.dma_semaphore, #tpu.memory_space<semaphore_mem>>
          %dma_start3A = arith.constant 0 : i32
          %dma_start3A_1259 = tpu.memref_slice %arg7[%scan3A_14, %dma_start3A] : memref<200x16xf32, #tpu.memory_space<hbm>> -> memref<1x16xf32, #tpu.memory_space<hbm>>
          %dma_start3A_1260 = tpu.memref_squeeze %dma_start3A_1259 : memref<1x16xf32, #tpu.memory_space<hbm>> -> memref<16xf32, #tpu.memory_space<hbm>>
          %dma_start3A_1261 = arith.constant 0 : i32
          %dma_start3A_1262 = tpu.memref_slice %arg7[%scan3A_14, %dma_start3A_1261] : memref<200x16xf32, #tpu.memory_space<hbm>> -> memref<1x16xf32, #tpu.memory_space<hbm>>
          %dma_start3A_1263 = tpu.memref_squeeze %dma_start3A_1262 : memref<1x16xf32, #tpu.memory_space<hbm>> -> memref<16xf32, #tpu.memory_space<hbm>>
          tpu.enqueue_dma source(%arg16 : memref<16xf32, #tpu.memory_space<vmem>>) target(%dma_start3A_1263 : memref<16xf32, #tpu.memory_space<hbm>>) target_semaphore(%run_scoped3A : memref<!tpu.dma_semaphore, #tpu.memory_space<semaphore_mem>>)
          %dma_wait3A = arith.constant 0 : i32
          %dma_wait3A_1264 = tpu.memref_slice %arg7[%scan3A_14, %dma_wait3A] : memref<200x16xf32, #tpu.memory_space<hbm>> -> memref<1x16xf32, #tpu.memory_space<hbm>>
          %dma_wait3A_1265 = tpu.memref_squeeze %dma_wait3A_1264 : memref<1x16xf32, #tpu.memory_space<hbm>> -> memref<16xf32, #tpu.memory_space<hbm>>
          %dma_wait3A_1266 = arith.constant 0 : i32
          %dma_wait3A_1267 = tpu.memref_slice %arg7[%scan3A_14, %dma_wait3A_1266] : memref<200x16xf32, #tpu.memory_space<hbm>> -> memref<1x16xf32, #tpu.memory_space<hbm>>
          %dma_wait3A_1268 = tpu.memref_squeeze %dma_wait3A_1267 : memref<1x16xf32, #tpu.memory_space<hbm>> -> memref<16xf32, #tpu.memory_space<hbm>>
          tpu.wait_dma2 semaphore(%run_scoped3A : memref<!tpu.dma_semaphore, #tpu.memory_space<semaphore_mem>>) src(%arg16 : memref<16xf32, #tpu.memory_space<vmem>>) dst(%dma_wait3A_1268 : memref<16xf32, #tpu.memory_space<hbm>>)
          tpu.yield
        }) : () -> ()
      } else {
      }
      %scan3A_1254 = arith.constant 0 : i32
      scf.yield %scan3A_1254 : i32
    }
    %scan3A_13 = arith.constant 200 : i32
    return
  }
}

</mosaic_0001>

<sc_bundles>
// kernel: kernel.3.cloned.1.call-start
scs
__scs_entry_jumppad:
0x0: {  	(pc) =	sbr.rel $0x88, $3  }
0x1: {  	(tag) =	ssettag $0x0;
	lr =	simm.s32 $0x1  }
0x2: {  	[smem:$0x3F9F] =	sst lr;
	_ =	strace $0xD0000000  }
0x3: {  	_ = 	snop  }
0x4: {  	_ = 	snop  }
0x5: {  	_ = 	snop  }
0x6: {  	_ = 	snop  }
0x7: {  	_ = 	snop  }
__scs_overlays_trampoline_lowered:
0x8: {  	[smem:$0x3FAE] =	sst s0  }
0x9: {  	[smem:$0x3FAF] =	sst s1  }
0xa: {  	[smem:$0x3FB0] =	sst s2  }
0xb: {  	[smem:$0x3FB1] =	sst s3  }
0xc: {  	[smem:$0x3FB2] =	sst s4  }
0xd: {  	[smem:$0x3FB3] =	sst s5  }
0xe: {  	[smem:$0x3FB4] =	sst s6  }
0xf: {  	[smem:$0x3FB5] =	sst s7  }
0x10: {  	[smem:$0x3FB6] =	sst s8  }
0x11: {  	[smem:$0x3FB7] =	sst s9;
	s0 =	simm.s32 @!p0 $0x0  }
0x12: {  	s1 =	sld [smem:$0x3F9D];
	s0 =	simm.s32 @p0 $0x1  }
0x13: {  	[smem:$0x3FB8] =	sst s0;
	s0 =	simm.s32 @!p1 $0x0  }
0x14: {  	s2 =	sld [smem:$0x3F9C];
	s0 =	simm.s32 @p1 $0x1  }
0x15: {  	[smem:$0x3FB9] =	sst s0;
	s0 =	simm.s32 @!p2 $0x0  }
0x16: {  	s3 =	sld [smem:$0x3FDB];
	s0 =	simm.s32 @p2 $0x1  }
0x17: {  	s4 =	simm.s32 $0x1BF5;
	[smem:$0x3FBB] =	sst s0  }
0x18: {  	s0 =	sld [smem:$0x3F9E];
	_ =	swait.ge [sflag:s4], $0x0  }
0x19: {  	s7 =	sld [smem:$0x3F9F]  }
0x1a: {  	s8 =	sadd.s32 $0xFFFFE003, lr  }
0x1b: {  	s9 =	sadd.s32 $0xFFFFFEF7, lr;
	s5 =	simm.s32 $0xFFFFFFFF;
	p2 =	slt.u32 s8, $0xFFFFF086  }
0x1c: {  	p1 =	slt.u32 s9, $0xF7A;
	s5 =	simm.s32 @!p2 $0x0  }
0x1d: {  	s5 =	simm.s32 @p1 $0x1;
	p0 =	seq.s32 s7, s2  }
0x1e: {  	s7 =	smul.u32 @!p0 $0xF7A, s2;
	p2 =	seq.s32 @!p0 s5, $0x0  }
0x1f: {  	s9 =	smul.u32 $0xF7A, s1;
	s8 =	simm.s32 @!p0 $0x1BF5;
	p2 =	por !p2, p0  }
0x20: {  	[sflag:s8] =	ssyncset.s32 @!p0 $0xFFFFF086;
	s6 =	sadd.s32 @!p0 s3, s7;
	s7 =	simm.s32 @!p0 $0x108  }
0x21: {  	s3 =	sadd.s32 s3, s9;
	s6 =	sadd.s32 @!p0 $0x88, s6;
	s7 =	simm.s32 @p2 $0x1082  }
0x22: {  	[simem:s7], [sflag:s8] =	dma.local @!p0 [hbm:s6], $0xF7A  }
0x23: {  	s9 =	sor.u32 $0xD0000000, s2;
	s6 =	simm.s32 $0x108;
	_ =	swait.ge @!p0 [sflag:s8], $0x0  }
0x24: {  	s3 =	sadd.s32 $0x88, s3;
	s6 =	simm.s32 @!p1 $0x1082;
	[sflag:s4] =	ssyncset.s32 $0xFFFFF086  }
0x25: {  	[simem:s6], [sflag:s4] =	dma.local [hbm:s3], $0xF7A  }
0x26: {  	[smem:$0x3F9F] =	sst s1;
	(tag) =	ssettag s2;
	_ =	strace s9  }
0x27: {  	s1 =	sld [smem:$0x3FAF]  }
0x28: {  	s2 =	sld [smem:$0x3FB0]  }
0x29: {  	s4 =	sld [smem:$0x3FB2]  }
0x2a: {  	p0 =	seq.s32 s5, $0x0;
	s5 =	sld [smem:$0x3FB3]  }
0x2b: {  	s6 =	sld [smem:$0x3FB4]  }
0x2c: {  	s7 =	sld [smem:$0x3FB5]  }
0x2d: {  	s3 =	simm.s32 $0x108;
	s8 =	sld [smem:$0x3FB6]  }
0x2e: {  	s3 =	simm.s32 @!p0 $0x1082;
	s9 =	sld [smem:$0x3FB7]  }
0x2f: {  	lr =	sadd.s32 s0, s3;
	s0 =	sld [smem:$0x3FAE]  }
0x30: {  	s3 =	sld [smem:$0x3FB1]  }
0x31: {  	[smem:$0x3FBA] =	sst s10  }
0x32: {  	s10 =	sld [smem:$0x3FB8];
	_ =	sdelay $0x3  }
0x33: {  	p0 =	seq.s32 s10, $0x1;
	s10 =	sld [smem:$0x3FBA];
	_ =	sdelay $0x3  }
0x34: {  	[smem:$0x3FBA] =	sst s10  }
0x35: {  	s10 =	sld [smem:$0x3FB9];
	_ =	sdelay $0x3  }
0x36: {  	p1 =	seq.s32 s10, $0x1;
	s10 =	sld [smem:$0x3FBA];
	_ =	sdelay $0x3  }
0x37: {  	[smem:$0x3FBA] =	sst s10  }
0x38: {  	s10 =	sld [smem:$0x3FBB]  }
0x39: {  	_ = 	snop;
	(pc) =	sbr.ind lr, $3  }
0x3a: {  	_ = 	snop  }
0x3b: {  	_ = 	snop  }
0x3c: {  	p2 =	seq.s32 s10, $0x1;
	s10 =	sld [smem:$0x3FBA]  }
0x3d: {  	_ =	shalt  }
0x3e: {  	_ =	shalt  }
0x3f: {  	_ =	shalt  }
0x40: {  	_ =	shalt  }
0x41: {  	_ =	shalt  }
0x42: {  	_ =	shalt  }
0x43: {  	_ =	shalt  }
0x44: {  	_ =	shalt  }
0x45: {  	_ =	shalt  }
0x46: {  	_ =	shalt  }
0x47: {  	_ =	shalt  }
0x48: {  	_ =	shalt  }
0x49: {  	_ =	shalt  }
0x4a: {  	_ =	shalt  }
0x4b: {  	_ =	shalt  }
0x4c: {  	_ =	shalt  }
0x4d: {  	_ =	shalt  }
0x4e: {  	_ =	shalt  }
0x4f: {  	_ =	shalt  }
0x50: {  	_ =	shalt  }
0x51: {  	_ =	shalt  }
0x52: {  	_ =	shalt  }
0x53: {  	_ =	shalt  }
0x54: {  	_ =	shalt  }
0x55: {  	_ =	shalt  }
0x56: {  	_ =	shalt  }
0x57: {  	_ =	shalt  }
0x58: {  	_ =	shalt  }
0x59: {  	_ =	shalt  }
0x5a: {  	_ =	shalt  }
0x5b: {  	_ =	shalt  }
0x5c: {  	_ =	shalt  }
0x5d: {  	_ =	shalt  }
0x5e: {  	_ =	shalt  }
0x5f: {  	_ =	shalt  }
0x60: {  	_ =	shalt  }
0x61: {  	_ =	shalt  }
0x62: {  	_ =	shalt  }
0x63: {  	_ =	shalt  }
0x64: {  	_ =	shalt  }
0x65: {  	_ =	shalt  }
0x66: {  	_ =	shalt  }
0x67: {  	_ =	shalt  }
0x68: {  	_ =	shalt  }
0x69: {  	_ =	shalt  }
0x6a: {  	_ =	shalt  }
0x6b: {  	_ =	shalt  }
0x6c: {  	_ =	shalt  }
0x6d: {  	_ =	shalt  }
0x6e: {  	_ =	shalt  }
0x6f: {  	_ =	shalt  }
0x70: {  	_ =	shalt  }
0x71: {  	_ =	shalt  }
0x72: {  	_ =	shalt  }
0x73: {  	_ =	shalt  }
0x74: {  	_ =	shalt  }
0x75: {  	_ =	shalt  }
0x76: {  	_ =	shalt  }
0x77: {  	_ =	shalt  }
0x78: {  	_ =	shalt  }
0x79: {  	_ =	shalt  }
0x7a: {  	_ =	shalt  }
0x7b: {  	_ =	shalt  }
0x7c: {  	_ =	shalt  }
0x7d: {  	_ =	shalt  }
0x7e: {  	_ =	shalt  }
0x7f: {  	_ =	shalt  }
0x80: {  	_ =	shalt  }
0x81: {  	_ =	shalt  }
0x82: {  	_ =	shalt  }
0x83: {  	_ =	shalt  }
0x84: {  	_ =	shalt  }
0x85: {  	_ =	shalt  }
0x86: {  	_ =	shalt  }
0x87: {  	_ =	shalt  }
.Lfunc_end0:
.L_simem_size_0:
called_computation_lowered:
.L_overlay_start_0:
0x88: {  	s0 =	sld [smem:$0x3FD9]  }
0x89: {  	s1 =	sld [smem:$0x3FFE];
	_ =	sdelay $0x3  }
0x8a: {  	s0 =	sadd.s32 s1, s0  }
0x8b: {  	[smem:$0x3FC6] =	sst s0  }
0x8c: {  	_ = 	snop  }
0x8d: {  	(tm) =	ssettm $0x1  }
0x8e: {  	s15 =	sld [smem:$0x3FFB];
	_ =	sdelay $0x3  }
0x8f: {  	_ =	strace s15  }
0x90: {  	s0 =	sld [smem:$0x3FFC];
	_ =	sdelay $0x3  }
0x91: {  	_ =	strace s0  }
0x92: {  	s0 =	sld [smem:$0x3FFD];
	_ =	sdelay $0x3  }
0x93: {  	_ =	strace s0  }
0x94: {  	_ =	strace $0x8FFFFFFF  }
0x95: {  	s16 =	sld [smem:$0x3FDB];
	_ =	sdelay $0x1  }
0x96: {  	s17 =	simm.s32 $_scs_section_size  }
0x97: {  	s2 =	simm.s32 $_size__tile_overlayer_lowered;
	s3 =	simm.s32 $_tile_overlayer_lowered  }
0x98: {  	s20 =	simm.s32 $0x1BFF;
	s19 =	sshll.u32 s3, $0x1;
	s0 =	sadd.s32 s17, s16  }
0x99: {  	s4 =	simm.s32 $0x0;
	s18 =	sshll.u32 s2, $0x1;
	s2 =	sadd.s32 s19, s0  }
0x9a: {  	[timem:s4], [sflag:s20] =	dma.local [hbm:s2], s18  }
0x9b: {  	_ =	swait.ge [sflag:s20], s18  }
0x9c: {  	s1 =	ssub.s32 $0x0, s18;
	[sflag:s20] =	ssyncset.done $0x0  }
0x9d: {  	[sflag:s20] =	ssyncadd.s32 s1;
	_ =	sdelay $0x1  }
0x9e: {  	s21 =	simm.s32 $0x1B8B  }
0x9f: {  	_ =	swait.ge [sflag:s21], $0x1  }
0xa0: {  	[sflag:s21] =	ssyncset.done $0x0  }
0xa1: {  	s23 =	simm.s32 $0x1B8E;
	s22 =	sld [smem:$0x3FFE];
	[sflag:s21] =	ssyncadd.s32 $0xFFFFFFFF  }
0xa2: {  	s24 =	simm.s32 $execute0_lowered;
	[smem:$0x3FD2] =	sst s23  }
0xa3: {  	s2 =	sshll.u32 s24, $0x1;
	_ =	strace $0x80000046;
	[dreg:$0x1] =	wrdreg $0xFFFFFFFF  }
0xa4: {  	s25 =	simm.s32 $_size_execute0_lowered;
	s0 =	sadd.s32 s0, s2;
	[dreg:$0x0] =	wrdreg $0x0  }
0xa5: {  	s2 =	sshll.u32 s25, $0x1;
	[dreg:$0x2] =	wrdreg s0  }
0xa6: {  	[dreg:$0x3] =	wrdreg s2  }
0xa7: {  	[dreg:$0x4] =	wrdreg $0xC0  }
0xa8: {  	_ =	task [dreg:s4], $0x5FFFF  }
0xa9: {  	[dreg:$0x1] =	wrdreg $0xFFFFFFFF  }
0xaa: {  	[dreg:$0x0] =	wrdreg $0x60  }
0xab: {  	[dreg:$0x2] =	wrdreg s22  }
0xac: {  	[dreg:$0x3] =	wrdreg $0x25000  }
0xad: {  	[dreg:$0x4] =	wrdreg $0x9  }
0xae: {  	_ =	task.clear_ibuf [dreg:s4], $0x5FFFF;
	_ =	strace $0x90000046  }
0xaf: {  	s26 =	simm.s32 $0x9;
	_ =	strace $0x80000048  }
0xb0: {  	_ =	swait.ge [sflag:s26], $0x1  }
0xb1: {  	[sflag:s26] =	ssyncadd.s32 $0xFFFFFFFF  }
0xb2: {  	_ =	strace $0x90000048  }
0xb3: {  	_ =	sfence  }
0xb4: {  	s28 =	sld [smem:$0x0];
	_ =	sdelay $0x1  }
0xb5: {  	s29 =	srdreg.scid  }
0xb6: {  	s30 =	sshll.u32 s29, $0xD;
	s31 =	sshrl.u32 s29, $0x2  }
0xb7: {  	s1 =	sand.u32 $0x1, s29;
	s2 =	sand.u32 $0x4000, s30;
	s0 =	sadd.s32 s31, s28  }
0xb8: {  	s1 =	sor.u32 s2, s1;
	s0 =	sshll.u32 s0, $0x11  }
0xb9: {  	s0 =	sor.u32 s0, s1  }
0xba: {  	s0 =	sadd.s32 $0x8F2B, s0  }
0xbb: {  	[sflag:s0] =	ssyncadd.remote.s32 $0x1  }
0xbc: {  	_ =	sfence.sel $0xFFFF  }
0xbd: {  	[dreg:$0x0] =	wrdreg $0xFFFFFFFF;
	(pc) =	sbr.abs _section_cstart, $3  }
0xbe: {  	[dreg:$0x1] =	wrdreg $0xFFFFFFFF  }
0xbf: {  	_ =	task.clear_ibuf [dreg:s4], $0x2FFFF;
	_ =	strace $0x9FFFFFFF  }
0xc0: {  	(tm) =	ssettm $0x7FFFFFFF  }
0xc1: {  	_ =	shalt  }
tec
execute0_lowered:
.L_overlay_start_1:
0x0: {  	(tag) =	ssettag $0x1  }
0x1: {  	s3 =	stileid.u32  }
0x2: {  	s2 =	rddreg [dreg:$0x0];
	s4 =	smul.u32 $0x500, s3  }
0x3: {  	s1 =	rddreg [dreg:$0x1]  }
0x4: {  	s0 =	rddreg [dreg:$0x2];
	s5 =	simm.s32 $0x0;
	s6 =	sshrl.u32 s4, $0x3  }
0x5: {  	[smem:$0x7FF] =	sst s5;
	s6 =	sadd.s32 s2, s6  }
0x6: {  	s25 =	simm.s32 $0x1;
	_ =	strace $0x80000047;
	s7 =	sadd.s32 $0x2800, s6  }
0x7: {  	[tilespmem:s5], [sflag:$0x1] =	stream.linear.gather [hbm4b:s7+s5], $0x500, $0x38;
	[tilespmem:$0x2560] =	vst v63  }
0x8: {  	_ =	swait.ge [sflag:s25], $0x500  }
0x9: {  	[sflag:s25] =	ssyncset.done $0x0  }
0xa: {  	s9 =	simm.s32 $0x500;
	s8 =	sadd.s32 $0x1E00, s6;
	[sflag:s25] =	ssyncadd.s32 $0xFFFFFB00  }
0xb: {  	[tilespmem:s9], [sflag:$0x1] =	stream.linear.gather [hbm4b:s8+s5], $0x500, $0x38;
	[tilespmem:$0x2560] =	vst v63  }
0xc: {  	_ =	swait.ge [sflag:s25], $0x500  }
0xd: {  	[sflag:s25] =	ssyncset.done $0x0  }
0xe: {  	s28 =	simm.s32 $0xA00;
	s26 =	sadd.s32 $0x1400, s6;
	[sflag:s25] =	ssyncadd.s32 $0xFFFFFB00  }
0xf: {  	[tilespmem:s28], [sflag:$0x1] =	stream.linear.gather [hbm4b:s26+s5], $0x500, $0x38;
	[tilespmem:$0x2560] =	vst v63  }
0x10: {  	_ =	swait.ge [sflag:s25], $0x500  }
0x11: {  	[sflag:s25] =	ssyncset.done $0x0  }
0x12: {  	s30 =	simm.s32 $0xF00;
	s29 =	sadd.s32 $0xA00, s6;
	[sflag:s25] =	ssyncadd.s32 $0xFFFFFB00  }
0x13: {  	[tilespmem:s30], [sflag:$0x1] =	stream.linear.gather [hbm4b:s29+s5], $0x500, $0x38;
	[tilespmem:$0x2560] =	vst v63  }
0x14: {  	_ =	swait.ge [sflag:s25], $0x500  }
0x15: {  	[sflag:s25] =	ssyncset.done $0x0  }
0x16: {  	s31 =	simm.s32 $0x1900;
	[sflag:s25] =	ssyncadd.s32 $0xFFFFFB00  }
0x17: {  	[tilespmem:s31], [sflag:$0x1] =	stream.linear.gather [hbm4b:s6+s5], $0x500, $0x38;
	[tilespmem:$0x2560] =	vst v63  }
0x18: {  	_ =	swait.ge [sflag:s25], $0x500  }
0x19: {  	[sflag:s25] =	ssyncset.done $0x0  }
0x1a: {  	s5 =	simm.s32 $0x0;
	[sflag:s25] =	ssyncadd.s32 $0xFFFFFB00  }
0x1b: {  	v4 =	vld [tilespmem:s5+$0x1900]  }
0x1c: {  	v1 =	vld [tilespmem:s5+$0xA00]  }
0x1d: {  	v2 =	vld [tilespmem:s5+$0x0]  }
0x1e: {  	v0 =	vld [tilespmem:s5+$0xF00]  }
0x1f: {  	v3 =	vld [tilespmem:s5+$0x500]  }
0x20: {  	s2 =	sadd.s32 $0x3200, s2;
	s7 =	simm.s32 $0x80;
	s6 =	simm.s32 $0x40;
	vm0 =	vgt.f32 v4, $5.000000000e-01  }
.LBB2_1:
0x21: {  	p0 =	sne.s32 s7, $0x13C0;
	v4 =	vnsel vm0, $0xCE6E6B28, v4  }
0x22: {  	s8 =	sshra.s32 s6, $0x2;
	s6 =	smov.u32 s7;
	v5 =	vsub.f32 v1, v2;
	[tilespmem:s5+$0x1900] =	vst v4  }
0x23: {  	v4 =	vld [tilespmem:s8+$0x1900]  }
.Ltmp0:
0x24: {  	v1 =	vld [tilespmem:s8+$0xA00];
	v3 =	vsub.f32 v0, v3;
	(pc) =	sbr.rel @p0 .LBB2_1-.Ltmp0, $4  }
0x25: {  	v2 =	vld [tilespmem:s8+$0x0]  }
0x26: {  	v0 =	vld [tilespmem:s8+$0xF00];
	v5 =	vmul.f32 v3, v5  }
0x27: {  	v3 =	vld [tilespmem:s8+$0x500]  }
0x28: {  	s7 =	sadd.s32 $0x40, s7;
	vm0 =	vgt.f32 v4, $5.000000000e-01;
	[tilespmem:s5+$0x1400] =	vst v5;
	s5 =	smov.u32 s8  }
0x29: {  	v4 =	vnsel vm0, $0xCE6E6B28, v4  }
0x2a: {  	s6 =	sshra.s32 s6, $0x2;
	[tilespmem:s5+$0x1900] =	vst v4  }
0x2b: {  	v4 =	vld [tilespmem:s6+$0xA00]  }
0x2c: {  	v5 =	vld [tilespmem:s6+$0x0]  }
0x2d: {  	v6 =	vld [tilespmem:s6+$0xF00]  }
0x2e: {  	v7 =	vld [tilespmem:s6+$0x500]  }
0x2f: {  	v9 =	vimm.s32 $0xEFCDAB89  }
0x30: {  	v10 =	vimm.s32 $0x67452301;
	p0 =	sne.s32 s3, $0x0;
	v1 =	vsub.f32 v1, v2;
	v2 =	vsub.f32 v0, v3  }
0x31: {  	v9 =	vunpack.c.l.s4.s8 v9;
	v10 =	vunpack.c.l.s4.s8 v10;
	vm2 =	vcmask @!p0 $0x3F10  }
0x32: {  	v0 =	vlaneseq.u32;
	v2 =	vmul.f32 v2, v1;
	v3 =	vsub.f32 v4, v5  }
0x33: {  	v4 =	vsub.f32 v6, v7;
	v6 =	vimm.s32 $0xBA98FEDC;
	v7 =	vimm.s32 $0x32107654  }
0x34: {  	v5 =	vmov s3;
	v6 =	vunpack.c.l.s4.s8 v6;
	v7 =	vunpack.c.l.s4.s8 v7  }
0x35: {  	v1 =	vimm.s32 $0xFEDCBA98;
	vm0 =	veq.s32 v5, v0;
	v5 =	vimm.s32 $0x76543210  }
0x36: {  	v8 =	vmul.f32 v4, v3;
	v3 =	vunpack.c.0.s8.s32 v6;
	v4 =	vunpack.c.0.s8.s32 v7  }
0x37: {  	v1 =	vunpack.c.l.s4.s8 v1;
	v5 =	vunpack.c.l.s4.s8 v5;
	v6 =	vimm.s32 $0xDCFE98BA  }
0x38: {  	v7 =	vld [tilespmem:s6+$0x1900];
	v3 =	vcombine.low v4, v3;
	v4 =	vunpack.c.l.s4.s8 v6;
	v6 =	vimm.s32 $0x54761032  }
0x39: {  	vm3 =	vcmask @!p0 $0x3F0C;
	v1 =	vunpack.c.0.s8.s32 v1;
	v6 =	vunpack.c.l.s4.s8 v6  }
0x3a: {  	v9 =	vunpack.c.0.s8.s32 v9;
	v10 =	vunpack.c.0.s8.s32 v10;
	v5 =	vunpack.c.0.s8.s32 v5  }
0x3b: {  	s7 =	smul.u32 $0x180, s3;
	v1 =	vand.u32 $0xF, v1;
	v4 =	vunpack.c.0.s8.s32 v4;
	v6 =	vunpack.c.0.s8.s32 v6  }
0x3c: {  	vm4 =	vcmask @!p0 $0x3F08;
	vm5 =	vmmov @!p0 $0x1;
	v1 =	vcombine.low v1, v5  }
0x3d: {  	s31 =	sshrl.u32 s7, $0x2;
	[tilespmem:s5+$0x1400] =	vst v2;
	v5 =	vcombine.low v10, v9;
	vm1 =	vgt.f32 v7, $5.000000000e-01;
	v4 =	vcombine.low v6, v4  }
0x3e: {  	s8 =	simm.s32 $0x0;
	s7 =	simm.s32 $0x1E80;
	s3 =	sadd.s32 s31, s1;
	v2 =	vmov s4;
	[tilespmem:s6+$0x1400] =	vst v8;
	v3 =	vand.u32 $0xF, v3;
	v6 =	vnsel vm1, $0xCE6E6B28, v7  }
0x3f: {  	s4 =	simm.s32 $0x0;
	s5 =	simm.s32 $0x1E00;
	v5 =	vand.u32 $0xF, v5;
	vm1 =	vcmask @!p0 $0x3F14;
	[tilespmem:s6+$0x1900] =	vst v6;
	s6 =	simm.s32 $0x2;
	v4 =	vand.u32 $0xF, v4  }
.LBB2_3:
0x40: {  	s9 =	simm.s32 $0x500;
	v11 =	vld [tilespmem:s4+$0x0]  }
0x41: {  	s10 =	simm.s32 $0x1900;
	v6 =	vld [tilespmem:s9+$0x0]  }
0x42: {  	s11 =	simm.s32 $0xA00;
	v14 =	vld [tilespmem:s10+$0x0]  }
0x43: {  	s12 =	simm.s32 $0xF00;
	v8 =	vld [tilespmem:s11+$0x0]  }
0x44: {  	v15 =	vimm.f32 $-1.000000000e+09;
	v7 =	vimm.f32 $0.0e+00;
	v16 =	vlaneseq.u32;
	v9 =	vld [tilespmem:s12+$0x0]  }
0x45: {  	s13 =	simm.s32 $0x10;
	s14 =	simm.s32 $0x10;
	s15 =	simm.s32 $0x0;
	v12 =	vimm.f32 $0.0e+00;
	v13 =	vimm.f32 $0.0e+00;
	v10 =	vimm.f32 $0.0e+00  }
.LBB2_4:
0x46: {  	v17 =	vld [tilespmem:s14+$0x0];
	s9 =	sadd.s32 $0x10, s9;
	v18 =	vmov v6;
	p1 =	sne.s32 s13, $0x4F0  }
.Ltmp1:
0x47: {  	v19 =	vor.u32 s15, v0;
	s10 =	sadd.s32 $0x10, s10;
	s15 =	smov.u32 s13;
	v6 =	vld [tilespmem:s9+$0x0];
	vm6 =	vgt.f32 v14, v15;
	(pc) =	sbr.rel @p1 .LBB2_4-.Ltmp1, $4  }
0x48: {  	s13 =	sadd.s32 $0x10, s13;
	s11 =	sadd.s32 $0x10, s11;
	v15 =	vsel vm6, v14, v15;
	v14 =	vld [tilespmem:s10+$0x0];
	v16 =	vsel vm6, v19, v16;
	v7 =	vsel vm6, v11, v7  }
0x49: {  	s12 =	sadd.s32 $0x10, s12;
	v12 =	vsel vm6, v18, v12;
	v13 =	vsel vm6, v8, v13;
	v8 =	vld [tilespmem:s11+$0x0];
	v10 =	vsel vm6, v9, v10  }
0x4a: {  	v9 =	vld [tilespmem:s12+$0x0]  }
0x4b: {  	s14 =	sadd.s32 $0x10, s14;
	v11 =	vmov v17  }
0x4c: {  	_ = 	snop  }
0x4d: {  	vm7 =	vgt.f32 v14, v15  }
0x4e: {  	v17 =	vor.u32 s15, v0;
	v14 =	vsel vm7, v14, v15  }
0x4f: {  	v15 =	vsel vm7, v17, v16;
	v16 =	vperm.xlane v14, v1  }
0x50: {  	v17 =	vperm.xlane v15, v1  }
0x51: {  	vm6 =	vgt.f32 v16, v14  }
0x52: {  	vm8 =	vle.s32 v15, v17;
	vm6 =	vmneg vm6  }
0x53: {  	vm9 =	vgt.f32 v14, v16;
	vm6 =	vmand vm6, vm8  }
0x54: {  	vm8 =	vmor vm9, vm6  }
0x55: {  	v14 =	vsel vm8, v14, v16  }
0x56: {  	v15 =	vsel vm8, v15, v17;
	v16 =	vperm.xlane v14, v3  }
0x57: {  	v7 =	vsel vm7, v11, v7;
	v6 =	vsel vm7, v6, v12;
	v17 =	vperm.xlane v15, v3  }
0x58: {  	v12 =	vperm.xlane v7, v1;
	v9 =	vsel vm7, v9, v10;
	vm6 =	vgt.f32 v16, v14  }
0x59: {  	v10 =	vperm.xlane v6, v1;
	vm12 =	vle.s32 v15, v17;
	vm6 =	vmneg vm6  }
0x5a: {  	v8 =	vsel vm7, v8, v13;
	vm13 =	vgt.f32 v14, v16;
	vm6 =	vmand vm6, vm12  }
0x5b: {  	v7 =	vsel vm8, v7, v12;
	v6 =	vsel vm8, v6, v10;
	vm6 =	vmor vm13, vm6  }
0x5c: {  	v10 =	vperm.xlane v7, v3;
	v11 =	vsel vm6, v14, v16;
	v16 =	vperm.xlane v8, v1  }
0x5d: {  	v13 =	vsel vm6, v15, v17;
	v17 =	vperm.xlane v9, v1;
	v14 =	vperm.xlane v11, v4  }
0x5e: {  	v12 =	vperm.xlane v6, v3;
	v7 =	vsel vm6, v7, v10;
	v15 =	vperm.xlane v13, v4  }
0x5f: {  	v8 =	vsel vm8, v8, v16;
	v9 =	vsel vm8, v9, v17;
	vm7 =	vgt.f32 v14, v11  }
0x60: {  	vm14 =	vle.s32 v13, v15;
	v16 =	vperm.xlane v9, v3;
	vm7 =	vmneg vm7  }
0x61: {  	v6 =	vsel vm6, v6, v12;
	vm15 =	vgt.f32 v11, v14;
	vm7 =	vmand vm7, vm14  }
0x62: {  	v12 =	vperm.xlane v7, v4;
	v9 =	vsel vm6, v9, v16;
	vm7 =	vmor vm15, vm7  }
0x63: {  	v17 =	vperm.xlane v9, v4;
	v11 =	vsel vm7, v11, v14;
	v14 =	vperm.xlane v8, v3  }
0x64: {  	v13 =	vsel vm7, v13, v15;
	v7 =	vsel vm7, v7, v12;
	v15 =	vperm.xlane v11, v5  }
0x65: {  	v10 =	vperm.xlane v13, v5;
	v12 =	vperm.xlane v7, v5;
	v8 =	vsel vm6, v8, v14  }
0x66: {  	v9 =	vsel vm7, v9, v17;
	vm8 =	vgt.f32 v15, v11;
	v16 =	vperm.xlane v8, v4  }
0x67: {  	v14 =	vperm.xlane v6, v4;
	vm6 =	vle.s32 v13, v10;
	vm8 =	vmneg vm8  }
0x68: {  	vm6 =	vmand vm8, vm6;
	vm8 =	vgt.f32 v11, v15;
	v8 =	vsel vm7, v8, v16  }
0x69: {  	v6 =	vsel vm7, v6, v14;
	vm6 =	vmor vm8, vm6;
	v14 =	vperm.xlane v8, v5  }
0x6a: {  	v10 =	vsel vm6, v13, v10;
	v11 =	vsel vm6, v11, v15;
	v13 =	vperm.xlane v6, v5  }
0x6b: {  	v7 =	vsel vm6, v7, v12;
	v10 =	vadd.s32 v2, v10;
	v11 =	vnsel vm0, $0xCE6E6B28, v11  }
0x6c: {  	v7 =	vnsel vm0, $0x7F61B1E6, v7;
	v10 =	vcvt.s32.f32 v10;
	[tilespmem:$0x1E00] =	vst v11;
	v6 =	vsel vm6, v6, v13  }
0x6d: {  	v11 =	vperm.xlane v9, v5;
	[tilespmem:$0x1E20] =	vst v7;
	v6 =	vnsel vm0, $0x7F61B1E6, v6  }
0x6e: {  	v8 =	vsel vm6, v8, v14;
	v10 =	vnsel vm0, $0x4E6E6B28, v10;
	[tilespmem:$0x1E30] =	vst v6  }
0x6f: {  	v7 =	vsel vm6, v9, v11;
	v6 =	vnsel vm0, $0x7F61B1E6, v8;
	[tilespmem:$0x1E10] =	vst v10  }
0x70: {  	[tilespmem:$0x1E40] =	vst v6;
	v6 =	vnsel vm0, $0x7F61B1E6, v7  }
0x71: {  	[tilespmem:$0x1E50] =	vst v6  }
0x72: {  	[spmem:s3] =	stream.linear.scatter [tilespmem:s5], [sflag:$0x2], $0x60, $0x38;
	[tilespmem:$0x2560] =	vst v63  }
0x73: {  	_ =	swait.ge [sflag:s6], $0x60  }
0x74: {  	[sflag:s6] =	ssyncset.done $0x0  }
0x75: {  	[sflag:s6] =	ssyncadd.s32 $0xFFFFFFA0  }
0x76: {  	[bflag:$0x0] =	sbarrier.arrive $0xFFFF  }
0x77: {  	[tilespmem:s7], [sflag:$0x2] =	stream.linear.gather [spmem:s1], $0x600, $0x38;
	[tilespmem:$0x2560] =	vst v63  }
0x78: {  	_ =	swait.ge [sflag:s6], $0x600  }
0x79: {  	[sflag:s6] =	ssyncset.done $0x0  }
0x7a: {  	[sflag:s6] =	ssyncadd.s32 $0xFFFFFA00  }
0x7b: {  	[bflag:$0x0] =	sbarrier.arrive $0xFFFF  }
0x7c: {  	v6 =	vld [tilespmem:$0x1E80]  }
0x7d: {  	v7 =	vld [tilespmem:$0x1E90]  }
0x7e: {  	v8 =	vld [tilespmem:$0x1EA0]  }
0x7f: {  	v9 =	vld [tilespmem:$0x1EB0]  }
0x80: {  	v10 =	vld [tilespmem:$0x1EC0]  }
0x81: {  	v11 =	vld [tilespmem:$0x1ED0]  }
0x82: {  	v12 =	vld [tilespmem:$0x1EE0]  }
0x83: {  	v13 =	vld [tilespmem:$0x1EF0]  }
0x84: {  	v14 =	vld [tilespmem:$0x1F00]  }
0x85: {  	v15 =	vld [tilespmem:$0x1F10]  }
0x86: {  	v16 =	vld [tilespmem:$0x1F20]  }
0x87: {  	v17 =	vld [tilespmem:$0x1F30]  }
0x88: {  	v18 =	vld [tilespmem:$0x1F40]  }
0x89: {  	v19 =	vld [tilespmem:$0x1F50]  }
0x8a: {  	v20 =	vld [tilespmem:$0x1F60]  }
0x8b: {  	v21 =	vld [tilespmem:$0x1F70]  }
0x8c: {  	v22 =	vld [tilespmem:$0x1F80]  }
0x8d: {  	v23 =	vld [tilespmem:$0x1F90]  }
0x8e: {  	v24 =	vld [tilespmem:$0x1FA0]  }
0x8f: {  	v25 =	vld [tilespmem:$0x1FB0]  }
0x90: {  	v26 =	vld [tilespmem:$0x1FC0]  }
0x91: {  	v27 =	vld [tilespmem:$0x1FD0]  }
0x92: {  	v28 =	vld [tilespmem:$0x1FE0]  }
0x93: {  	v29 =	vld [tilespmem:$0x1FF0]  }
0x94: {  	v30 =	vld [tilespmem:$0x2000]  }
0x95: {  	v31 =	vld [tilespmem:$0x2010]  }
0x96: {  	v32 =	vld [tilespmem:$0x2020]  }
0x97: {  	v33 =	vld [tilespmem:$0x2030]  }
0x98: {  	v34 =	vld [tilespmem:$0x2040]  }
0x99: {  	v35 =	vld [tilespmem:$0x2050]  }
0x9a: {  	v36 =	vld [tilespmem:$0x2060]  }
0x9b: {  	v37 =	vld [tilespmem:$0x2070]  }
0x9c: {  	v38 =	vld [tilespmem:$0x2080]  }
0x9d: {  	v39 =	vld [tilespmem:$0x2090]  }
0x9e: {  	v40 =	vld [tilespmem:$0x20A0]  }
0x9f: {  	v41 =	vld [tilespmem:$0x20B0]  }
0xa0: {  	v42 =	vld [tilespmem:$0x20C0]  }
0xa1: {  	v43 =	vld [tilespmem:$0x20D0]  }
0xa2: {  	v44 =	vld [tilespmem:$0x20E0]  }
0xa3: {  	v45 =	vld [tilespmem:$0x20F0]  }
0xa4: {  	v46 =	vld [tilespmem:$0x2100]  }
0xa5: {  	v47 =	vld [tilespmem:$0x2110]  }
0xa6: {  	v48 =	vld [tilespmem:$0x2120]  }
0xa7: {  	v49 =	vld [tilespmem:$0x2130]  }
0xa8: {  	v50 =	vld [tilespmem:$0x2140]  }
0xa9: {  	v51 =	vld [tilespmem:$0x2150]  }
0xaa: {  	v52 =	vld [tilespmem:$0x2160]  }
0xab: {  	v53 =	vld [tilespmem:$0x2170]  }
0xac: {  	v54 =	vld [tilespmem:$0x2180]  }
0xad: {  	v55 =	vld [tilespmem:$0x2190]  }
0xae: {  	v56 =	vld [tilespmem:$0x21A0]  }
0xaf: {  	v57 =	vld [tilespmem:$0x21B0]  }
0xb0: {  	v58 =	vld [tilespmem:$0x21C0]  }
0xb1: {  	v59 =	vld [tilespmem:$0x21D0]  }
0xb2: {  	v60 =	vld [tilespmem:$0x21E0]  }
0xb3: {  	v61 =	vld [tilespmem:$0x21F0]  }
0xb4: {  	v62 =	vld [tilespmem:$0x2200];
	v6 =	vmax.f32 v6, $-1.000000000e+09  }
0xb5: {  	v63 =	vld [tilespmem:$0x2360];
	v6 =	vmax.f32 v6, v12  }
0xb6: {  	v7 =	vmin.f32 v7, $1.000000000e+09;
	v12 =	vld [tilespmem:$0x2210];
	v6 =	vmax.f32 v6, v18  }
0xb7: {  	v8 =	vmin.f32 v8, $3.000000010e+38;
	v7 =	vmin.f32 v7, v13;
	v13 =	vld [tilespmem:$0x23C0];
	v6 =	vmax.f32 v6, v24  }
0xb8: {  	v8 =	vmin.f32 v8, v14;
	v14 =	vld [tilespmem:$0x2420];
	v6 =	vmax.f32 v6, v30  }
0xb9: {  	v30 =	vld [tilespmem:$0x2240];
	v6 =	vmax.f32 v6, v36  }
0xba: {  	v6 =	vmax.f32 v6, v42;
	v42 =	vld [tilespmem:$0x22A0]  }
0xbb: {  	v9 =	vmin.f32 v9, $3.000000010e+38;
	v6 =	vmax.f32 v6, v48;
	v48 =	vld [tilespmem:$0x2300]  }
0xbc: {  	v10 =	vmin.f32 v10, $3.000000010e+38;
	v9 =	vmin.f32 v9, v15;
	v15 =	vld [tilespmem:$0x2260];
	v6 =	vmax.f32 v6, v54  }
0xbd: {  	v11 =	vmin.f32 v11, $3.000000010e+38;
	v10 =	vmin.f32 v10, v16;
	v16 =	vld [tilespmem:$0x2270];
	v6 =	vmax.f32 v6, v60  }
0xbe: {  	v11 =	vmin.f32 v11, v17;
	v17 =	vld [tilespmem:$0x2280];
	v6 =	vmax.f32 v6, v30  }
0xbf: {  	v18 =	vld [tilespmem:$0x2220];
	v6 =	vmax.f32 v6, v42  }
0xc0: {  	v7 =	vmin.f32 v7, v19;
	v19 =	vld [tilespmem:$0x22C0];
	v6 =	vmax.f32 v6, v48  }
0xc1: {  	v8 =	vmin.f32 v8, v20;
	v9 =	vmin.f32 v9, v21;
	v21 =	vld [tilespmem:$0x22D0];
	v6 =	vmax.f32 v6, v63  }
0xc2: {  	v10 =	vmin.f32 v10, v22;
	v11 =	vmin.f32 v11, v23;
	v22 =	vld [tilespmem:$0x22E0];
	v6 =	vmax.f32 v6, v13  }
0xc3: {  	v23 =	vld [tilespmem:$0x22F0];
	v7 =	vmin.f32 v7, v25;
	v8 =	vmin.f32 v8, v26;
	v14 =	vmax.f32 v6, v14  }
0xc4: {  	v24 =	vld [tilespmem:$0x2230];
	v9 =	vmin.f32 v9, v27;
	v10 =	vmin.f32 v10, v28;
	v20 =	vperm.xlane v14, v1  }
0xc5: {  	v11 =	vmin.f32 v11, v29;
	v7 =	vmin.f32 v7, v31;
	v10 =	vmin.f32 v10, v34;
	v34 =	vld [tilespmem:$0x2310]  }
0xc6: {  	v8 =	vmin.f32 v8, v32;
	v36 =	vld [tilespmem:$0x2250];
	v7 =	vmin.f32 v7, v37;
	v20 =	vmax.f32 v14, v20  }
0xc7: {  	v9 =	vmin.f32 v9, v33;
	v7 =	vmin.f32 v7, v43;
	v6 =	vld [tilespmem:$0x22B0];
	v32 =	vperm.xlane v20, v3  }
0xc8: {  	v11 =	vmin.f32 v11, v35;
	v37 =	vld [tilespmem:$0x2370];
	v8 =	vmin.f32 v8, v38;
	v7 =	vmin.f32 v7, v49  }
0xc9: {  	v38 =	vld [tilespmem:$0x23D0];
	v9 =	vmin.f32 v9, v39;
	v7 =	vmin.f32 v7, v55;
	v20 =	vmax.f32 v20, v32  }
0xca: {  	v10 =	vmin.f32 v10, v40;
	v43 =	vld [tilespmem:$0x2430];
	v7 =	vmin.f32 v7, v61;
	v42 =	vperm.xlane v20, v4  }
0xcb: {  	v11 =	vmin.f32 v11, v41;
	v8 =	vmin.f32 v8, v44;
	v49 =	vld [tilespmem:$0x2340];
	v7 =	vmin.f32 v7, v36  }
0xcc: {  	v9 =	vmin.f32 v9, v45;
	v54 =	vld [tilespmem:$0x2390];
	v6 =	vmin.f32 v7, v6;
	v7 =	vmax.f32 v20, v42  }
0xcd: {  	v10 =	vmin.f32 v10, v46;
	v55 =	vld [tilespmem:$0x23A0];
	v6 =	vmin.f32 v6, v34;
	v28 =	vperm.xlane v7, v5  }
0xce: {  	v11 =	vmin.f32 v11, v47;
	v10 =	vmin.f32 v10, v52;
	v60 =	vld [tilespmem:$0x23B0];
	v6 =	vmin.f32 v6, v37  }
0xcf: {  	v10 =	vmin.f32 v10, v58;
	v61 =	vld [tilespmem:$0x23E0];
	v27 =	vmin.f32 v6, v38;
	v6 =	vmax.f32 v7, v28  }
0xd0: {  	v10 =	vmin.f32 v10, v18;
	v18 =	vld [tilespmem:$0x23F0];
	v27 =	vmin.f32 v27, v43;
	vm6 =	veq.f32 v14, v6  }
0xd1: {  	v8 =	vmin.f32 v8, v50;
	v9 =	vmin.f32 v9, v51;
	v48 =	vld [tilespmem:$0x2330];
	v29 =	vnsel vm6, $0x4E6E6B28, v27  }
0xd2: {  	v11 =	vmin.f32 v11, v53;
	v8 =	vmin.f32 v8, v56;
	v13 =	vld [tilespmem:$0x2290];
	v56 =	vperm.xlane v29, v1  }
0xd3: {  	v9 =	vmin.f32 v9, v57;
	v11 =	vmin.f32 v11, v59;
	v20 =	vld [tilespmem:$0x2320]  }
0xd4: {  	v8 =	vmin.f32 v8, v62;
	v9 =	vmin.f32 v9, v12;
	v7 =	vld [tilespmem:$0x2350];
	v12 =	vmin.f32 v29, v56  }
0xd5: {  	v11 =	vmin.f32 v11, v24;
	v8 =	vmin.f32 v8, v15;
	v14 =	vld [tilespmem:$0x2380];
	v62 =	vperm.xlane v12, v3  }
0xd6: {  	v9 =	vmin.f32 v9, v16;
	v10 =	vmin.f32 v10, v17;
	v15 =	vld [tilespmem:$0x2400];
	v8 =	vmin.f32 v8, v19  }
0xd7: {  	v16 =	vld [tilespmem:$0x2440];
	v9 =	vmin.f32 v9, v21;
	v10 =	vmin.f32 v10, v22;
	v12 =	vmin.f32 v12, v62  }
0xd8: {  	v19 =	vld [tilespmem:$0x2450];
	v10 =	vmin.f32 v10, v49;
	v11 =	vmin.f32 v11, v13;
	v17 =	vperm.xlane v12, v4  }
0xd9: {  	v9 =	vmin.f32 v9, v48;
	v13 =	vld [tilespmem:$0x2410];
	v11 =	vmin.f32 v11, v23;
	v8 =	vmin.f32 v8, v20  }
0xda: {  	v7 =	vmin.f32 v11, v7;
	v8 =	vmin.f32 v8, v14;
	v14 =	vld [tilespmem:$0x2470];
	v11 =	vmin.f32 v12, v17  }
0xdb: {  	v10 =	vmin.f32 v10, v55;
	v9 =	vmin.f32 v9, v54;
	v12 =	vld [tilespmem:$0x2460];
	v17 =	vperm.xlane v11, v5  }
0xdc: {  	v10 =	vmin.f32 v10, v15;
	v9 =	vmin.f32 v9, v18  }
0xdd: {  	v7 =	vmin.f32 v7, v60;
	v8 =	vmin.f32 v8, v61;
	v11 =	vmin.f32 v11, v17  }
0xde: {  	v7 =	vmin.f32 v7, v13;
	v8 =	vmin.f32 v8, v16;
	vm6 =	veq.f32 v27, v11  }
0xdf: {  	v9 =	vmin.f32 v9, v19;
	v7 =	vmin.f32 v7, v14;
	v8 =	vnsel vm6, $0x7F61B1E6, v8  }
0xe0: {  	v10 =	vmin.f32 v10, v12;
	v9 =	vnsel vm6, $0x7F61B1E6, v9;
	v11 =	vperm.xlane v8, v1  }
0xe1: {  	v7 =	vnsel vm6, $0x7F61B1E6, v7;
	v12 =	vperm.xlane v9, v1;
	v10 =	vnsel vm6, $0x7F61B1E6, v10  }
0xe2: {  	v13 =	vperm.xlane v7, v1;
	v8 =	vmin.f32 v8, v11;
	v11 =	vperm.xlane v10, v1  }
0xe3: {  	v9 =	vmin.f32 v9, v12;
	v14 =	vperm.xlane v8, v3  }
0xe4: {  	v7 =	vmin.f32 v7, v13;
	v12 =	vperm.xlane v9, v3;
	v10 =	vmin.f32 v10, v11  }
0xe5: {  	v13 =	vperm.xlane v7, v3;
	v8 =	vmin.f32 v8, v14;
	v11 =	vperm.xlane v10, v3  }
0xe6: {  	s9 =	simm.s32 $0x0;
	v9 =	vmin.f32 v9, v12;
	v14 =	vperm.xlane v8, v4  }
0xe7: {  	v15 =	vld [tilespmem:s9+$0x500];
	v7 =	vmin.f32 v7, v13;
	v12 =	vperm.xlane v9, v4;
	v10 =	vmin.f32 v10, v11  }
0xe8: {  	v11 =	vld [tilespmem:s9+$0x0];
	v8 =	vmin.f32 v8, v14;
	v13 =	vperm.xlane v10, v4;
	v14 =	vperm.xlane v7, v4  }
0xe9: {  	v9 =	vmin.f32 v9, v12;
	v12 =	vld [tilespmem:s9+$0xA00];
	v16 =	vperm.xlane v8, v5  }
0xea: {  	v17 =	vperm.xlane v9, v5;
	v10 =	vmin.f32 v10, v13;
	v13 =	vmin.f32 v7, v14;
	v14 =	vld [tilespmem:s9+$0xF00]  }
0xeb: {  	v18 =	vperm.xlane v10, v5;
	v19 =	vperm.xlane v13, v5  }
0xec: {  	v7 =	vmin.f32 v8, v16  }
0xed: {  	s10 =	simm.s32 $0x10;
	v8 =	vmin.f32 v9, v17;
	v17 =	vld [tilespmem:s9+$0x1400];
	v9 =	vmin.f32 v10, v18;
	v10 =	vmin.f32 v13, v19  }
0xee: {  	v11 =	vmax.f32 v7, v11;
	v18 =	vld [tilespmem:s10+$0x0];
	v13 =	vsub.f32 v9, v7;
	v16 =	vsub.f32 v10, v8  }
0xef: {  	v15 =	vmax.f32 v8, v15;
	v19 =	vld [tilespmem:s10+$0x500];
	v12 =	vmin.f32 v9, v12;
	v14 =	vmin.f32 v10, v14  }
0xf0: {  	v12 =	vsub.f32 v12, v11;
	v14 =	vsub.f32 v14, v15;
	v11 =	vmul.f32 v16, v13;
	v13 =	vld [tilespmem:s10+$0xA00]  }
0xf1: {  	v15 =	vld [tilespmem:s10+$0xF00]  }
0xf2: {  	v12 =	vmax.f32 v12, $0.0e+00;
	v14 =	vmax.f32 v14, $0.0e+00  }
0xf3: {  	s11 =	simm.s32 $0x20;
	v20 =	vmul.f32 v14, v12;
	v12 =	vadd.f32 v17, v11  }
0xf4: {  	v21 =	vld [tilespmem:s11+$0xA00]  }
0xf5: {  	v14 =	vld [tilespmem:s10+$0x1400];
	v17 =	vmax.f32 v7, v18;
	v12 =	vsub.f32 v12, v20;
	v13 =	vmin.f32 v9, v13  }
0xf6: {  	v16 =	vld [tilespmem:s11+$0x0];
	v19 =	vmax.f32 v8, v19;
	v15 =	vmin.f32 v10, v15;
	v13 =	vsub.f32 v13, v17  }
0xf7: {  	v18 =	vld [tilespmem:s11+$0x500];
	v15 =	vsub.f32 v15, v19;
	v12 =	vadd.f32 $9.999999710e-10, v12  }
0xf8: {  	v17 =	vld [tilespmem:s11+$0xF00]  }
0xf9: {  	(erf) = vrcp.f32 v12;
	v12 =	vmax.f32 v13, $0.0e+00;
	v13 =	vmax.f32 v15, $0.0e+00  }
0xfa: {  	s12 =	simm.s32 $0x30;
	v12 =	vmul.f32 v13, v12;
	v13 =	vadd.f32 v14, v11  }
0xfb: {  	v19 =	vmin.f32 v9, v21;
	v21 =	vld [tilespmem:s12+$0x500]  }
0xfc: {  	v15 =	vld [tilespmem:s11+$0x1400];
	v14 =	vmax.f32 v7, v16;
	v13 =	vsub.f32 v13, v12  }
0xfd: {  	v18 =	vmax.f32 v8, v18;
	v16 =	vld [tilespmem:s12+$0x0];
	v17 =	vmin.f32 v10, v17;
	v14 =	vsub.f32 v19, v14  }
0xfe: {  	v19 =	vld [tilespmem:s12+$0xA00];
	v17 =	vsub.f32 v17, v18;
	v22 =	vadd.f32 $9.999999710e-10, v13  }
0xff: {  	v18 =	vld [tilespmem:s12+$0xF00]  }
0x100: {  	v13 =	vmax.f32 v14, $0.0e+00;
	v17 =	vmax.f32 v17, $0.0e+00;
	(erf) = vrcp.f32 v22  }
0x101: {  	v14 =	vld [tilespmem:s12+$0x1400];
	v15 =	vadd.f32 v15, v11;
	v13 =	vmul.f32 v17, v13  }
0x102: {  	s13 =	simm.s32 $0x40;
	vm6 =	vgt.f32 v6, $0.0e+00;
	v17 =	vld [tilespmem:s9+$0x1900];
	v22 =	vmax.f32 v7, v16;
	v23 =	vpop (erf)  }
0x103: {  	v16 =	vld [tilespmem:s13+$0x0];
	v19 =	vmin.f32 v9, v19;
	v63 =	vsub.f32 v15, v13;
	v23 =	vmul.f32 v23, v20  }
0x104: {  	v15 =	vld [tilespmem:s13+$0x500];
	v19 =	vsub.f32 v19, v22;
	v20 =	vmax.f32 v8, v21;
	v21 =	vmin.f32 v10, v18  }
0x105: {  	s14 =	simm.s32 $0x140;
	v18 =	vld [tilespmem:s13+$0xA00];
	v20 =	vsub.f32 v21, v20;
	v21 =	vadd.f32 $9.999999710e-10, v63;
	vm7 =	vgt.f32 v23, $2.000000030e-01  }
.LBB2_6:
0x106: {  	p1 =	sne.s32 s14, $0x13C0;
	v22 =	vld [tilespmem:s13+$0xF00];
	v19 =	vmax.f32 v19, $0.0e+00;
	vm7 =	vmand vm6, vm7  }
0x107: {  	v20 =	vmax.f32 v20, $0.0e+00;
	(erf) = vrcp.f32 v21;
	v17 =	vsel vm7, $0xCE6E6B28, v17  }
.Ltmp2:
0x108: {  	v20 =	vmul.f32 v20, v19;
	v19 =	vadd.f32 v14, v11;
	v14 =	vld [tilespmem:s13+$0x1400];
	[tilespmem:s9+$0x1900] =	vst v17;
	s9 =	smov.u32 s10;
	s10 =	smov.u32 s11;
	(pc) =	sbr.rel @p1 .LBB2_6-.Ltmp2, $4  }
0x109: {  	v21 =	vmax.f32 v7, v16;
	s11 =	smov.u32 s12;
	s12 =	smov.u32 s13;
	s13 =	sshra.s32 s14, $0x2;
	v17 =	vld [tilespmem:s9+$0x1900];
	v23 =	vpop (erf)  }
0x10a: {  	v16 =	vld [tilespmem:s13+$0x0];
	v18 =	vmin.f32 v9, v18;
	v24 =	vsub.f32 v19, v20;
	v23 =	vmul.f32 v23, v12;
	v12 =	vmovc v13  }
0x10b: {  	v25 =	vmax.f32 v8, v15;
	v13 =	vmovc v20;
	v15 =	vld [tilespmem:s13+$0x500];
	v22 =	vmin.f32 v10, v22;
	v19 =	vsub.f32 v18, v21  }
0x10c: {  	s14 =	sadd.s32 $0x40, s14;
	v18 =	vld [tilespmem:s13+$0xA00];
	v20 =	vsub.f32 v22, v25;
	v21 =	vadd.f32 $9.999999710e-10, v24;
	vm7 =	vgt.f32 v23, $2.000000030e-01  }
0x10d: {  	v22 =	vld [tilespmem:s13+$0xF00]  }
0x10e: {  	v19 =	vmax.f32 v19, $0.0e+00;
	vm7 =	vmand vm6, vm7  }
0x10f: {  	v51 =	vld [tilespmem:s13+$0x1400];
	v20 =	vmax.f32 v20, $0.0e+00;
	(erf) = vrcp.f32 v21;
	v17 =	vsel vm7, $0xCE6E6B28, v17  }
0x110: {  	v14 =	vadd.f32 v14, v11;
	v19 =	vmul.f32 v20, v19;
	[tilespmem:s9+$0x1900] =	vst v17  }
0x111: {  	v16 =	vmax.f32 v7, v16;
	v52 =	vpop (erf);
	v53 =	vld [tilespmem:s10+$0x1900];
	v15 =	vmax.f32 v8, v15;
	v18 =	vmin.f32 v9, v18  }
0x112: {  	v14 =	vsub.f32 v14, v19;
	v12 =	vmul.f32 v52, v12;
	v54 =	vmin.f32 v10, v22  }
0x113: {  	v16 =	vsub.f32 v18, v16;
	v15 =	vsub.f32 v54, v15  }
0x114: {  	v57 =	vadd.f32 v51, v11;
	v14 =	vadd.f32 $9.999999710e-10, v14;
	vm7 =	vgt.f32 v12, $2.000000030e-01  }
0x115: {  	v55 =	vmax.f32 v16, $0.0e+00;
	vm7 =	vmand vm6, vm7;
	v15 =	vmax.f32 v15, $0.0e+00  }
0x116: {  	(erf) = vrcp.f32 v14;
	v56 =	vsel vm7, $0xCE6E6B28, v53;
	v12 =	vmul.f32 v15, v55  }
0x117: {  	[tilespmem:s10+$0x1900] =	vst v56  }
0x118: {  	v14 =	vld [tilespmem:s11+$0x1900];
	v58 =	vpop (erf);
	v11 =	vsub.f32 v57, v12  }
0x119: {  	v13 =	vmul.f32 v58, v13  }
0x11a: {  	v11 =	vadd.f32 $9.999999710e-10, v11  }
0x11b: {  	vm7 =	vgt.f32 v13, $2.000000030e-01  }
0x11c: {  	vm7 =	vmand vm6, vm7;
	(erf) = vrcp.f32 v11  }
0x11d: {  	v59 =	vsel vm7, $0xCE6E6B28, v14  }
0x11e: {  	[tilespmem:s11+$0x1900] =	vst v59  }
0x11f: {  	v11 =	vld [tilespmem:s12+$0x1900];
	v60 =	vpop (erf)  }
0x120: {  	v13 =	vmul.f32 v60, v19;
	_ =	sdelay $0x1  }
0x121: {  	vm7 =	vgt.f32 v13, $2.000000030e-01  }
0x122: {  	vm7 =	vmand vm6, vm7  }
0x123: {  	v11 =	vsel vm7, $0xCE6E6B28, v11  }
0x124: {  	[tilespmem:s12+$0x1900] =	vst v11;
	v61 =	vpop (erf)  }
0x125: {  	v62 =	vld [tilespmem:s13+$0x1900];
	v11 =	vmul.f32 v61, v12;
	v12 =	vsel @!p0 vm1, $0x0, v6  }
0x126: {  	v10 =	vsel @!p0 vm2, v12, v10  }
0x127: {  	vm8 =	vgt.f32 @!p0 v6, $0.0e+00;
	v9 =	vsel @!p0 vm3, v10, v9  }
0x128: {  	v6 =	vimm.f32 @!p0 $0.0e+00;
	vm7 =	vgt.f32 v11, $2.000000030e-01;
	v8 =	vsel @!p0 vm4, v9, v8  }
0x129: {  	v6 =	vsel @!p0 vm8, $0x3F800000, v6;
	vm6 =	vmand vm6, vm7;
	v7 =	vsel @!p0 vm5, v7, v8  }
0x12a: {  	s9 =	sshll.u32 @!p0 s8, $0x4;
	v63 =	vsel vm6, $0xCE6E6B28, v62;
	v6 =	vmul.f32 @!p0 v7, v6  }
0x12b: {  	s8 =	sadd.s32 $0x1, s8;
	s9 =	sadd.s32 @!p0 s2, s9;
	[tilespmem:s13+$0x1900] =	vst v63  }
0x12c: {  	p1 =	sne.s32 s8, $0xC8;
	s10 =	simm.s32 @!p0 $0x0;
	s11 =	simm.s32 @!p0 $0x2480;
	[tilespmem:$0x2480] =	vst @!p0 v6  }
0x12d: {  	[hbm4b:s9+s10] =	stream.linear.scatter @!p0 [tilespmem:s11], [sflag:$0x1], $0x80, $0x38;
	[tilespmem:$0x2560] =	vst v63  }
.Ltmp3:
0x12e: {  	_ = 	snop;
	(pc) =	sbr.rel @p1 .LBB2_3-.Ltmp3, $4  }
0x12f: {  	s9 =	simm.s32 @!p0 $0x1  }
0x130: {  	_ =	swait.ge @!p0 [sflag:s9], $0x80  }
0x131: {  	[sflag:s9] =	ssyncset.done @!p0 $0x0  }
0x132: {  	[sflag:s9] =	ssyncadd.s32 @!p0 $0xFFFFFF80  }
0x133: {  	_ =	sfence.sel $0x180000  }
0x134: {  	[bflag:$0x0] =	sbarrier.arrive $0xFFFF  }
0x135: {  	_ =	strace $0x90000047  }
0x136: {  	s0 =	sadd.s32 @!p0 $0x100000, s0;
	[bflag:$0x2] =	sbarrier.arrive $0xFFFF  }
0x137: {  	[sflag:s0] =	ssyncadd.tile.s32 @!p0 $0x1;
	_ =	shalt  }
.Lfunc_end2:
_tile_overlayer_lowered:
.L_overlay_start_2:
0x138: {  	(tag) =	ssettag $0x2  }
0x139: {  	s0 =	rddreg [dreg:$0x0];
	s2 =	stileid.u32  }
0x13a: {  	s1 =	rddreg [dreg:$0x1];
	p0 =	sne.s32 s2, $0x0  }
0x13b: {  	s3 =	rddreg [dreg:$0x2];
	[bflag:$0x3] =	sbarrier.arrive $0xFFFF;
	s2 =	simm.s32 @!p0 $0x1C01  }
0x13c: {  	[timem:s3], [sflag:s2] =	dma.local @!p0 [hbm:s0], s1  }
0x13d: {  	s0 =	simm.s32 @!p0 $0x1  }
0x13e: {  	_ =	swait.ge @!p0 [sflag:s0], s1  }
0x13f: {  	s1 =	ssub.s32 @!p0 $0x0, s1;
	[sflag:s0] =	ssyncset.done @!p0 $0x0  }
0x140: {  	[sflag:s0] =	ssyncadd.s32 @!p0 s1  }
0x141: {  	[bflag:$0x3] =	sbarrier.arrive $0xFFFF  }
0x142: {  	_ =	shalt  }

</sc_bundles>
